<compile_context>
chip_gen: v7x
topology: tpu7x:2x2x1
jax: 0.10.2.dev20260603
libtpu: 0.0.44.dev20260713+nightly
codegen_flags: <defaults>
</compile_context>

<pallas_src>
import functools

import jax
import jax.numpy as jnp
from jax import lax
from jax.experimental import pallas as pl
from jax.experimental.pallas import tpu as pltpu
from jax.experimental.pallas import tpu_sc as plsc

B = 16384
EMB = 32
HIST = 50
FC_OUT = 64
NC = 2
NS = 16
NW = NC * NS
BPW = B // NW
CH = 128
NCH = BPW // CH


def _relayout_body(x_ref, o_ref):
    x = x_ref[...]
    br = o_ref.shape[0]
    o_ref[...] = jnp.concatenate(
        [x[:, k * br:(k + 1) * br].T for k in range(4)], axis=1)


RELAY_BR = 4096


def _relayout(table):
    br = RELAY_BR
    n = table.shape[0]
    grid = -(-n // (4 * br))
    np_ = grid * br
    packed = pl.pallas_call(
        _relayout_body,
        grid=(grid,),
        in_specs=[pl.BlockSpec((32, 4 * br), lambda i: (0, i))],
        out_specs=pl.BlockSpec((br, 128), lambda i: (i, 0)),
        out_shape=jax.ShapeDtypeStruct((np_, 128), jnp.float32),
        compiler_params=pltpu.CompilerParams(
            dimension_semantics=("parallel",)),
    )(table.T)
    return packed.reshape(4 * np_, EMB)


def _permute_idx(m):
    br = RELAY_BR
    g = 4 * br
    blk = m // g
    c = m % g
    return (blk * br + c % br) * 4 + c // br


def _sc_desc_brand(brand_p, desc_p, scat_p, brand_table, dtab):
    mesh = plsc.VectorSubcoreMesh(core_axis_name="c", subcore_axis_name="s")

    @functools.partial(
        pl.kernel,
        out_type=jax.ShapeDtypeStruct((2, B, EMB), jnp.float32),
        mesh=mesh,
        scratch_types=[
            pltpu.VMEM((NCH, CH), jnp.int32),
            pltpu.VMEM((HIST, NCH, CH), jnp.int32),
            pltpu.VMEM((NCH, CH), jnp.int32),
            pltpu.VMEM((BPW, EMB), jnp.float32),
            pltpu.VMEM((NCH, CH, EMB), jnp.float32),
            pltpu.VMEM_SHARED((NS * BPW, EMB), jnp.float32),
            pltpu.SemaphoreType.DMA,
            pltpu.SemaphoreType.DMA,
            pltpu.SemaphoreType.DMA,
            pltpu.SemaphoreType.DMA,
            pltpu.SemaphoreType.DMA,
        ],
        compiler_params=pltpu.CompilerParams(use_tc_tiling_on_sc=False),
    )
    def k(brand_hbm, desc_hbm, scat_hbm, btab, dtab_hbm, out_hbm,
          brand_v, desc_v, scat_v, brand_rows, ring, acc_sh,
          sem_b, sem0, sem1, sem2, sem3):
        c = lax.axis_index("c")
        s = lax.axis_index("s")
        wid = s * NC + c
        base = wid * BPW
        sems = (sem0, sem1, sem2, sem3)

        pltpu.sync_copy(brand_hbm.at[wid], brand_v)
        pltpu.sync_copy(scat_hbm.at[s], scat_v)
        pltpu.sync_copy(desc_hbm.at[:, wid], desc_v)

        for u in range(NCH):
            pltpu.async_copy(dtab_hbm.at[desc_v.at[0, u]], ring.at[u], sems[u])
        for u in range(NCH):
            pltpu.async_copy(btab.at[brand_v.at[u]],
                             brand_rows.at[pl.ds(u * CH, CH)], sem_b)

        def body(j, _):
            for u in range(NCH):
                pltpu.make_async_copy(dtab_hbm.at[desc_v.at[j, u]], ring.at[u],
                                      sems[u]).wait()
                dst = acc_sh.at[scat_v.at[u]]
                @pl.when(j == 0)
                def _():
                    pltpu.sync_copy(ring.at[u], dst)
                @pl.when(j > 0)
                def _():
                    pltpu.sync_copy(ring.at[u], dst, add=True)
                @pl.when(j < HIST - 1)
                def _():
                    pltpu.async_copy(dtab_hbm.at[desc_v.at[j + 1, u]],
                                     ring.at[u], sems[u])
            return 0

        lax.fori_loop(0, HIST, body, 0)

        for u in range(NCH):
            pltpu.make_async_copy(btab.at[brand_v.at[u]],
                                  brand_rows.at[pl.ds(u * CH, CH)], sem_b).wait()
        pltpu.sync_copy(brand_rows, out_hbm.at[0, pl.ds(base, BPW)])
        pltpu.sync_copy(acc_sh.at[pl.ds(s * BPW, BPW)],
                        out_hbm.at[1, pl.ds(base, BPW)])

    return k(brand_p, desc_p, scat_p, brand_table, dtab)


def _sc_item(item_p, itab):
    mesh = plsc.VectorSubcoreMesh(core_axis_name="c", subcore_axis_name="s")

    @functools.partial(
        pl.kernel,
        out_type=jax.ShapeDtypeStruct((B, EMB), jnp.float32),
        mesh=mesh,
        scratch_types=[
            pltpu.VMEM((NCH, CH), jnp.int32),
            pltpu.VMEM((BPW, EMB), jnp.float32),
            pltpu.SemaphoreType.DMA,
        ],
        compiler_params=pltpu.CompilerParams(use_tc_tiling_on_sc=False),
    )
    def k(item_hbm, itab_hbm, out_hbm, item_v, rows, sem):
        c = lax.axis_index("c")
        s = lax.axis_index("s")
        wid = s * NC + c
        base = wid * BPW
        pltpu.sync_copy(item_hbm.at[wid], item_v)
        for u in range(NCH):
            pltpu.async_copy(itab_hbm.at[item_v.at[u]],
                             rows.at[pl.ds(u * CH, CH)], sem)
        for u in range(NCH):
            pltpu.make_async_copy(itab_hbm.at[item_v.at[u]],
                                  rows.at[pl.ds(u * CH, CH)], sem).wait()
        pltpu.sync_copy(rows, out_hbm.at[pl.ds(base, BPW)])

    return k(item_p, itab)


def _fc_body(itemf_ref, db_ref, price_ref, w0, w1, w2, wp, b2, out_ref):
    acc = jnp.dot(itemf_ref[...], w0[...], preferred_element_type=jnp.float32)
    acc = acc + jnp.dot(db_ref[0], w1[...], preferred_element_type=jnp.float32)
    acc = acc + jnp.dot(db_ref[1], w2[...], preferred_element_type=jnp.float32)
    acc = acc + price_ref[...] * wp[...]
    out_ref[...] = acc + b2[...]


def kernel(item, brand, price, description, item_table, brand_table, desc_table, W, b):
    item_p = _permute_idx(item.astype(jnp.int32)).reshape(NW, NCH, CH)
    brand_p = brand.astype(jnp.int32).reshape(NW, NCH, CH)
    desc_p = (_permute_idx(description.astype(jnp.int32))
              .T.reshape(HIST, NW, NCH, CH))
    scat_p = (jnp.arange(NS, dtype=jnp.int32)[:, None, None] * BPW
              + jnp.arange(NCH, dtype=jnp.int32)[None, :, None] * CH
              + jnp.arange(CH, dtype=jnp.int32)[None, None, :])

    dtab = _relayout(desc_table)
    feat_db = _sc_desc_brand(brand_p, desc_p, scat_p, brand_table, dtab)
    itab = _relayout(item_table)
    item_f = _sc_item(item_p, itab)

    W0 = W[0:EMB]
    W1 = W[EMB:2 * EMB]
    W2 = W[2 * EMB:3 * EMB] * jnp.float32(1.0 / HIST)
    wp = W[3 * EMB:3 * EMB + 1]
    b2 = b.reshape(1, FC_OUT)
    price2 = price.reshape(B, 1)

    BK = 2048
    out = pl.pallas_call(
        _fc_body,
        grid=(B // BK,),
        in_specs=[
            pl.BlockSpec((BK, EMB), lambda i: (i, 0)),
            pl.BlockSpec((2, BK, EMB), lambda i: (0, i, 0)),
            pl.BlockSpec((BK, 1), lambda i: (i, 0)),
            pl.BlockSpec((EMB, FC_OUT), lambda i: (0, 0)),
            pl.BlockSpec((EMB, FC_OUT), lambda i: (0, 0)),
            pl.BlockSpec((EMB, FC_OUT), lambda i: (0, 0)),
            pl.BlockSpec((1, FC_OUT), lambda i: (0, 0)),
            pl.BlockSpec((1, FC_OUT), lambda i: (0, 0)),
        ],
        out_specs=pl.BlockSpec((BK, FC_OUT), lambda i: (i, 0)),
        out_shape=jax.ShapeDtypeStruct((B, FC_OUT), jnp.float32),
    )(item_f, feat_db, price2, W0, W1, W2, wp, b2)
    return out

# --- scband reference (transcript-rebuilt; emitter-appended) ---
"""Pipeline reference for scband-item-tower-85435489452370 (READ-ONLY COPY).

The authoritative reference and input builder live on the scoring server;
editing this copy changes nothing except your own understanding.
"""

import jax, jax.numpy as jnp
import numpy as np

B = 16384
ITEM_DIM = 1000000
BRAND_DIM = 1000
VOCAB = 100000
EMB = 32
DESC_EMB = 32
HIST = 50
FC_IN = EMB * 2 + 1 + DESC_EMB  # 97
FC_OUT = 64


def setup_inputs(seed: int = 0) -> dict:
    key = jax.random.key(seed)
    ks = jax.random.split(key, 9)
    item = jax.random.randint(ks[0], (B,), 0, ITEM_DIM)
    brand = jax.random.randint(ks[1], (B,), 0, BRAND_DIM)
    price = jax.random.normal(ks[2], (B,), dtype=jnp.float32)
    description = jax.random.randint(ks[3], (B, HIST), 0, VOCAB)
    item_table = jax.random.normal(ks[4], (ITEM_DIM, EMB), dtype=jnp.float32) * 0.02
    brand_table = jax.random.normal(ks[5], (BRAND_DIM, EMB), dtype=jnp.float32) * 0.02
    desc_table = jax.random.normal(ks[6], (VOCAB, DESC_EMB), dtype=jnp.float32) * 0.02
    W = jax.random.normal(ks[7], (FC_IN, FC_OUT), dtype=jnp.float32) * (1.0 / np.sqrt(FC_IN))
    b = jax.random.normal(ks[8], (FC_OUT,), dtype=jnp.float32) * 0.01
    return {
        "item": item,
        "brand": brand,
        "price": price,
        "description": description,
        "item_table": item_table,
        "brand_table": brand_table,
        "desc_table": desc_table,
        "W": W,
        "b": b,
    }


def reference(item, brand, price, description, item_table, brand_table, desc_table, W, b):
    item_emb = jnp.take(item_table, item, axis=0)            # [B, EMB]
    brand_emb = jnp.take(brand_table, brand, axis=0)          # [B, EMB]
    desc_vec = jnp.take(desc_table, description, axis=0).mean(axis=1)  # [B, DESC_EMB]
    x = jnp.concatenate([item_emb, brand_emb, desc_vec, price[:, None]], axis=1)  # [B, 97]
    return x @ W + b                                          # [B, 64]

if __name__ == "__main__":
    import jax
    _d = setup_inputs()
    print(jax.jit(kernel)(*tuple(_d.values())))

</pallas_src>

<mosaic_0001>
#map = affine_map<(d0, d1) -> (0, 0, 0)>
#map1 = affine_map<(d0, d1) -> (0, 0, 0, 0)>
#map2 = affine_map<(d0, d1) -> (0, 0)>
module attributes {stable_mosaic.version = 14 : i64} {
  func.func @k(%arg0: i32, %arg1: i32, %arg2: memref<32x4x128xi32, #tpu.memory_space<hbm>>, %arg3: memref<50x32x4x128xi32, #tpu.memory_space<hbm>>, %arg4: memref<16x4x128xi32, #tpu.memory_space<hbm>>, %arg5: memref<1000x32xf32, #tpu.memory_space<hbm>>, %arg6: memref<114688x32xf32, #tpu.memory_space<hbm>>, %arg7: memref<2x16384x32xf32, #tpu.memory_space<hbm>>, %arg8: memref<4x128xi32, #tpu.memory_space<vmem>>, %arg9: memref<50x4x128xi32, #tpu.memory_space<vmem>>, %arg10: memref<4x128xi32, #tpu.memory_space<vmem>>, %arg11: memref<512x32xf32, #tpu.memory_space<vmem>>, %arg12: memref<4x128x32xf32, #tpu.memory_space<vmem>>, %arg13: memref<8192x32xf32, #tpu.memory_space<vmem_shared>>, %arg14: memref<!tpu.dma_semaphore, #tpu.memory_space<semaphore_mem>>, %arg15: memref<!tpu.dma_semaphore, #tpu.memory_space<semaphore_mem>>, %arg16: memref<!tpu.dma_semaphore, #tpu.memory_space<semaphore_mem>>, %arg17: memref<!tpu.dma_semaphore, #tpu.memory_space<semaphore_mem>>, %arg18: memref<!tpu.dma_semaphore, #tpu.memory_space<semaphore_mem>>) attributes {dimension_semantics = [#tpu.dimension_semantics<core_parallel>, #tpu.dimension_semantics<subcore_parallel>], iteration_bounds = array<i64: 2, 16>, scalar_prefetch = 0 : i64, scratch_operands = 11 : i64, tpu.core_type = #tpu.core_type<sc_vector_subcore>, window_params = [{transform_indices = #map}, {transform_indices = #map1}, {transform_indices = #map}, {transform_indices = #map2}, {transform_indices = #map2}, {transform_indices = #map}]} {
    %mul3A = arith.constant 2 : i32
    %mul3A_0 = arith.muli %arg1, %mul3A : i32
    %add3A = arith.addi %mul3A_0, %arg0 : i32
    %mul3A_1 = arith.constant 512 : i32
    %mul3A_2 = arith.muli %add3A, %mul3A_1 : i32
    "tpu.region"() ({
      %run_scoped3A_142 = tpu.sem_alloc : memref<!tpu.dma_semaphore, #tpu.memory_space<semaphore_mem>>
      %dma_start3A_143 = arith.constant 0 : i32
      %dma_start3A_144 = arith.constant 0 : i32
      %dma_start3A_145 = tpu.memref_slice %arg2[%add3A, %dma_start3A_143, %dma_start3A_144] : memref<32x4x128xi32, #tpu.memory_space<hbm>> -> memref<1x4x128xi32, #tpu.memory_space<hbm>>
      %dma_start3A_146 = tpu.memref_squeeze %dma_start3A_145 : memref<1x4x128xi32, #tpu.memory_space<hbm>> -> memref<4x128xi32, #tpu.memory_space<hbm>>
      %dma_start3A_147 = arith.constant 0 : i32
      %dma_start3A_148 = arith.constant 0 : i32
      %dma_start3A_149 = tpu.memref_slice %arg2[%add3A, %dma_start3A_147, %dma_start3A_148] : memref<32x4x128xi32, #tpu.memory_space<hbm>> -> memref<1x4x128xi32, #tpu.memory_space<hbm>>
      %dma_start3A_150 = tpu.memref_squeeze %dma_start3A_149 : memref<1x4x128xi32, #tpu.memory_space<hbm>> -> memref<4x128xi32, #tpu.memory_space<hbm>>
      tpu.enqueue_dma source(%dma_start3A_150 : memref<4x128xi32, #tpu.memory_space<hbm>>) target(%arg8 : memref<4x128xi32, #tpu.memory_space<vmem>>) target_semaphore(%run_scoped3A_142 : memref<!tpu.dma_semaphore, #tpu.memory_space<semaphore_mem>>)
      %dma_wait3A_151 = arith.constant 0 : i32
      %dma_wait3A_152 = arith.constant 0 : i32
      %dma_wait3A_153 = tpu.memref_slice %arg2[%add3A, %dma_wait3A_151, %dma_wait3A_152] : memref<32x4x128xi32, #tpu.memory_space<hbm>> -> memref<1x4x128xi32, #tpu.memory_space<hbm>>
      %dma_wait3A_154 = tpu.memref_squeeze %dma_wait3A_153 : memref<1x4x128xi32, #tpu.memory_space<hbm>> -> memref<4x128xi32, #tpu.memory_space<hbm>>
      %dma_wait3A_155 = arith.constant 0 : i32
      %dma_wait3A_156 = arith.constant 0 : i32
      %dma_wait3A_157 = tpu.memref_slice %arg2[%add3A, %dma_wait3A_155, %dma_wait3A_156] : memref<32x4x128xi32, #tpu.memory_space<hbm>> -> memref<1x4x128xi32, #tpu.memory_space<hbm>>
      %dma_wait3A_158 = tpu.memref_squeeze %dma_wait3A_157 : memref<1x4x128xi32, #tpu.memory_space<hbm>> -> memref<4x128xi32, #tpu.memory_space<hbm>>
      tpu.wait_dma2 semaphore(%run_scoped3A_142 : memref<!tpu.dma_semaphore, #tpu.memory_space<semaphore_mem>>) src(%dma_wait3A_158 : memref<4x128xi32, #tpu.memory_space<hbm>>) dst(%arg8 : memref<4x128xi32, #tpu.memory_space<vmem>>)
      tpu.yield
    }) : () -> ()
    "tpu.region"() ({
      %run_scoped3A_142 = tpu.sem_alloc : memref<!tpu.dma_semaphore, #tpu.memory_space<semaphore_mem>>
      %dma_start3A_143 = arith.constant 0 : i32
      %dma_start3A_144 = arith.constant 0 : i32
      %dma_start3A_145 = tpu.memref_slice %arg4[%arg1, %dma_start3A_143, %dma_start3A_144] : memref<16x4x128xi32, #tpu.memory_space<hbm>> -> memref<1x4x128xi32, #tpu.memory_space<hbm>>
      %dma_start3A_146 = tpu.memref_squeeze %dma_start3A_145 : memref<1x4x128xi32, #tpu.memory_space<hbm>> -> memref<4x128xi32, #tpu.memory_space<hbm>>
      %dma_start3A_147 = arith.constant 0 : i32
      %dma_start3A_148 = arith.constant 0 : i32
      %dma_start3A_149 = tpu.memref_slice %arg4[%arg1, %dma_start3A_147, %dma_start3A_148] : memref<16x4x128xi32, #tpu.memory_space<hbm>> -> memref<1x4x128xi32, #tpu.memory_space<hbm>>
      %dma_start3A_150 = tpu.memref_squeeze %dma_start3A_149 : memref<1x4x128xi32, #tpu.memory_space<hbm>> -> memref<4x128xi32, #tpu.memory_space<hbm>>
      tpu.enqueue_dma source(%dma_start3A_150 : memref<4x128xi32, #tpu.memory_space<hbm>>) target(%arg10 : memref<4x128xi32, #tpu.memory_space<vmem>>) target_semaphore(%run_scoped3A_142 : memref<!tpu.dma_semaphore, #tpu.memory_space<semaphore_mem>>)
      %dma_wait3A_151 = arith.constant 0 : i32
      %dma_wait3A_152 = arith.constant 0 : i32
      %dma_wait3A_153 = tpu.memref_slice %arg4[%arg1, %dma_wait3A_151, %dma_wait3A_152] : memref<16x4x128xi32, #tpu.memory_space<hbm>> -> memref<1x4x128xi32, #tpu.memory_space<hbm>>
      %dma_wait3A_154 = tpu.memref_squeeze %dma_wait3A_153 : memref<1x4x128xi32, #tpu.memory_space<hbm>> -> memref<4x128xi32, #tpu.memory_space<hbm>>
      %dma_wait3A_155 = arith.constant 0 : i32
      %dma_wait3A_156 = arith.constant 0 : i32
      %dma_wait3A_157 = tpu.memref_slice %arg4[%arg1, %dma_wait3A_155, %dma_wait3A_156] : memref<16x4x128xi32, #tpu.memory_space<hbm>> -> memref<1x4x128xi32, #tpu.memory_space<hbm>>
      %dma_wait3A_158 = tpu.memref_squeeze %dma_wait3A_157 : memref<1x4x128xi32, #tpu.memory_space<hbm>> -> memref<4x128xi32, #tpu.memory_space<hbm>>
      tpu.wait_dma2 semaphore(%run_scoped3A_142 : memref<!tpu.dma_semaphore, #tpu.memory_space<semaphore_mem>>) src(%dma_wait3A_158 : memref<4x128xi32, #tpu.memory_space<hbm>>) dst(%arg10 : memref<4x128xi32, #tpu.memory_space<vmem>>)
      tpu.yield
    }) : () -> ()
    "tpu.region"() ({
      %run_scoped3A_142 = tpu.sem_alloc : memref<!tpu.dma_semaphore, #tpu.memory_space<semaphore_mem>>
      %dma_start3A_143 = arith.constant 0 : i32
      %dma_start3A_144 = arith.constant 0 : i32
      %dma_start3A_145 = arith.constant 0 : i32
      %dma_start3A_146 = tpu.memref_slice %arg3[%dma_start3A_143, %add3A, %dma_start3A_144, %dma_start3A_145] : memref<50x32x4x128xi32, #tpu.memory_space<hbm>> -> memref<50x1x4x128xi32, #tpu.memory_space<hbm>>
      %dma_start3A_147 = tpu.memref_squeeze %dma_start3A_146 : memref<50x1x4x128xi32, #tpu.memory_space<hbm>> -> memref<50x4x128xi32, #tpu.memory_space<hbm>>
      %dma_start3A_148 = arith.constant 0 : i32
      %dma_start3A_149 = arith.constant 0 : i32
      %dma_start3A_150 = arith.constant 0 : i32
      %dma_start3A_151 = tpu.memref_slice %arg3[%dma_start3A_148, %add3A, %dma_start3A_149, %dma_start3A_150] : memref<50x32x4x128xi32, #tpu.memory_space<hbm>> -> memref<50x1x4x128xi32, #tpu.memory_space<hbm>>
      %dma_start3A_152 = tpu.memref_squeeze %dma_start3A_151 : memref<50x1x4x128xi32, #tpu.memory_space<hbm>> -> memref<50x4x128xi32, #tpu.memory_space<hbm>>
      tpu.enqueue_dma source(%dma_start3A_152 : memref<50x4x128xi32, #tpu.memory_space<hbm>>) target(%arg9 : memref<50x4x128xi32, #tpu.memory_space<vmem>>) target_semaphore(%run_scoped3A_142 : memref<!tpu.dma_semaphore, #tpu.memory_space<semaphore_mem>>)
      %dma_wait3A_153 = arith.constant 0 : i32
      %dma_wait3A_154 = arith.constant 0 : i32
      %dma_wait3A_155 = arith.constant 0 : i32
      %dma_wait3A_156 = tpu.memref_slice %arg3[%dma_wait3A_153, %add3A, %dma_wait3A_154, %dma_wait3A_155] : memref<50x32x4x128xi32, #tpu.memory_space<hbm>> -> memref<50x1x4x128xi32, #tpu.memory_space<hbm>>
      %dma_wait3A_157 = tpu.memref_squeeze %dma_wait3A_156 : memref<50x1x4x128xi32, #tpu.memory_space<hbm>> -> memref<50x4x128xi32, #tpu.memory_space<hbm>>
      %dma_wait3A_158 = arith.constant 0 : i32
      %dma_wait3A_159 = arith.constant 0 : i32
      %dma_wait3A_160 = arith.constant 0 : i32
      %dma_wait3A_161 = tpu.memref_slice %arg3[%dma_wait3A_158, %add3A, %dma_wait3A_159, %dma_wait3A_160] : memref<50x32x4x128xi32, #tpu.memory_space<hbm>> -> memref<50x1x4x128xi32, #tpu.memory_space<hbm>>
      %dma_wait3A_162 = tpu.memref_squeeze %dma_wait3A_161 : memref<50x1x4x128xi32, #tpu.memory_space<hbm>> -> memref<50x4x128xi32, #tpu.memory_space<hbm>>
      tpu.wait_dma2 semaphore(%run_scoped3A_142 : memref<!tpu.dma_semaphore, #tpu.memory_space<semaphore_mem>>) src(%dma_wait3A_162 : memref<50x4x128xi32, #tpu.memory_space<hbm>>) dst(%arg9 : memref<50x4x128xi32, #tpu.memory_space<vmem>>)
      tpu.yield
    }) : () -> ()
    %dma_start3A = arith.constant 0 : i32
    %dma_start3A_3 = arith.constant 0 : i32
    %dma_start3A_4 = arith.constant 0 : i32
    %dma_start3A_5 = arith.constant 0 : i32
    %dma_start3A_6 = arith.constant 0 : i32
    %dma_start3A_7 = tpu.memref_slice %arg12[%dma_start3A_4, %dma_start3A_5, %dma_start3A_6] : memref<4x128x32xf32, #tpu.memory_space<vmem>> -> memref<1x128x32xf32, #tpu.memory_space<vmem>>
    %dma_start3A_8 = tpu.memref_squeeze %dma_start3A_7 : memref<1x128x32xf32, #tpu.memory_space<vmem>> -> memref<128x32xf32, #tpu.memory_space<vmem>>
    %dma_start3A_9 = arith.constant 0 : i32
    %dma_start3A_10 = tpu.memref_slice %arg9[%dma_start3A, %dma_start3A_3, %dma_start3A_9] : memref<50x4x128xi32, #tpu.memory_space<vmem>> -> memref<1x1x128xi32, #tpu.memory_space<vmem>>
    %dma_start3A_11 = tpu.memref_squeeze %dma_start3A_10 : memref<1x1x128xi32, #tpu.memory_space<vmem>> -> memref<128xi32, #tpu.memory_space<vmem>>
    %dma_start3A_12 = arith.constant 0 : i32
    %dma_start3A_13 = arith.constant 0 : i32
    %dma_start3A_14 = tpu.memref_slice %arg6[%dma_start3A_12, %dma_start3A_13] : memref<114688x32xf32, #tpu.memory_space<hbm>> -> memref<114688x32xf32, #tpu.memory_space<hbm>>
    tpu.enqueue_indirect_dma source(%dma_start3A_14 : memref<114688x32xf32, #tpu.memory_space<hbm>>) target(%dma_start3A_8 : memref<128x32xf32, #tpu.memory_space<vmem>>) offsets(%dma_start3A_11 : memref<128xi32, #tpu.memory_space<vmem>>) semaphore(%arg15 : memref<!tpu.dma_semaphore, #tpu.memory_space<semaphore_mem>>)
    %dma_start3A_15 = arith.constant 0 : i32
    %dma_start3A_16 = arith.constant 1 : i32
    %dma_start3A_17 = arith.constant 1 : i32
    %dma_start3A_18 = arith.constant 0 : i32
    %dma_start3A_19 = arith.constant 0 : i32
    %dma_start3A_20 = tpu.memref_slice %arg12[%dma_start3A_17, %dma_start3A_18, %dma_start3A_19] : memref<4x128x32xf32, #tpu.memory_space<vmem>> -> memref<1x128x32xf32, #tpu.memory_space<vmem>>
    %dma_start3A_21 = tpu.memref_squeeze %dma_start3A_20 : memref<1x128x32xf32, #tpu.memory_space<vmem>> -> memref<128x32xf32, #tpu.memory_space<vmem>>
    %dma_start3A_22 = arith.constant 0 : i32
    %dma_start3A_23 = tpu.memref_slice %arg9[%dma_start3A_15, %dma_start3A_16, %dma_start3A_22] : memref<50x4x128xi32, #tpu.memory_space<vmem>> -> memref<1x1x128xi32, #tpu.memory_space<vmem>>
    %dma_start3A_24 = tpu.memref_squeeze %dma_start3A_23 : memref<1x1x128xi32, #tpu.memory_space<vmem>> -> memref<128xi32, #tpu.memory_space<vmem>>
    %dma_start3A_25 = arith.constant 0 : i32
    %dma_start3A_26 = arith.constant 0 : i32
    %dma_start3A_27 = tpu.memref_slice %arg6[%dma_start3A_25, %dma_start3A_26] : memref<114688x32xf32, #tpu.memory_space<hbm>> -> memref<114688x32xf32, #tpu.memory_space<hbm>>
    tpu.enqueue_indirect_dma source(%dma_start3A_27 : memref<114688x32xf32, #tpu.memory_space<hbm>>) target(%dma_start3A_21 : memref<128x32xf32, #tpu.memory_space<vmem>>) offsets(%dma_start3A_24 : memref<128xi32, #tpu.memory_space<vmem>>) semaphore(%arg16 : memref<!tpu.dma_semaphore, #tpu.memory_space<semaphore_mem>>)
    %dma_start3A_28 = arith.constant 0 : i32
    %dma_start3A_29 = arith.constant 2 : i32
    %dma_start3A_30 = arith.constant 2 : i32
    %dma_start3A_31 = arith.constant 0 : i32
    %dma_start3A_32 = arith.constant 0 : i32
    %dma_start3A_33 = tpu.memref_slice %arg12[%dma_start3A_30, %dma_start3A_31, %dma_start3A_32] : memref<4x128x32xf32, #tpu.memory_space<vmem>> -> memref<1x128x32xf32, #tpu.memory_space<vmem>>
    %dma_start3A_34 = tpu.memref_squeeze %dma_start3A_33 : memref<1x128x32xf32, #tpu.memory_space<vmem>> -> memref<128x32xf32, #tpu.memory_space<vmem>>
    %dma_start3A_35 = arith.constant 0 : i32
    %dma_start3A_36 = tpu.memref_slice %arg9[%dma_start3A_28, %dma_start3A_29, %dma_start3A_35] : memref<50x4x128xi32, #tpu.memory_space<vmem>> -> memref<1x1x128xi32, #tpu.memory_space<vmem>>
    %dma_start3A_37 = tpu.memref_squeeze %dma_start3A_36 : memref<1x1x128xi32, #tpu.memory_space<vmem>> -> memref<128xi32, #tpu.memory_space<vmem>>
    %dma_start3A_38 = arith.constant 0 : i32
    %dma_start3A_39 = arith.constant 0 : i32
    %dma_start3A_40 = tpu.memref_slice %arg6[%dma_start3A_38, %dma_start3A_39] : memref<114688x32xf32, #tpu.memory_space<hbm>> -> memref<114688x32xf32, #tpu.memory_space<hbm>>
    tpu.enqueue_indirect_dma source(%dma_start3A_40 : memref<114688x32xf32, #tpu.memory_space<hbm>>) target(%dma_start3A_34 : memref<128x32xf32, #tpu.memory_space<vmem>>) offsets(%dma_start3A_37 : memref<128xi32, #tpu.memory_space<vmem>>) semaphore(%arg17 : memref<!tpu.dma_semaphore, #tpu.memory_space<semaphore_mem>>)
    %dma_start3A_41 = arith.constant 0 : i32
    %dma_start3A_42 = arith.constant 3 : i32
    %dma_start3A_43 = arith.constant 3 : i32
    %dma_start3A_44 = arith.constant 0 : i32
    %dma_start3A_45 = arith.constant 0 : i32
    %dma_start3A_46 = tpu.memref_slice %arg12[%dma_start3A_43, %dma_start3A_44, %dma_start3A_45] : memref<4x128x32xf32, #tpu.memory_space<vmem>> -> memref<1x128x32xf32, #tpu.memory_space<vmem>>
    %dma_start3A_47 = tpu.memref_squeeze %dma_start3A_46 : memref<1x128x32xf32, #tpu.memory_space<vmem>> -> memref<128x32xf32, #tpu.memory_space<vmem>>
    %dma_start3A_48 = arith.constant 0 : i32
    %dma_start3A_49 = tpu.memref_slice %arg9[%dma_start3A_41, %dma_start3A_42, %dma_start3A_48] : memref<50x4x128xi32, #tpu.memory_space<vmem>> -> memref<1x1x128xi32, #tpu.memory_space<vmem>>
    %dma_start3A_50 = tpu.memref_squeeze %dma_start3A_49 : memref<1x1x128xi32, #tpu.memory_space<vmem>> -> memref<128xi32, #tpu.memory_space<vmem>>
    %dma_start3A_51 = arith.constant 0 : i32
    %dma_start3A_52 = arith.constant 0 : i32
    %dma_start3A_53 = tpu.memref_slice %arg6[%dma_start3A_51, %dma_start3A_52] : memref<114688x32xf32, #tpu.memory_space<hbm>> -> memref<114688x32xf32, #tpu.memory_space<hbm>>
    tpu.enqueue_indirect_dma source(%dma_start3A_53 : memref<114688x32xf32, #tpu.memory_space<hbm>>) target(%dma_start3A_47 : memref<128x32xf32, #tpu.memory_space<vmem>>) offsets(%dma_start3A_50 : memref<128xi32, #tpu.memory_space<vmem>>) semaphore(%arg18 : memref<!tpu.dma_semaphore, #tpu.memory_space<semaphore_mem>>)
    %dma_start3A_54 = arith.constant 0 : i32
    %dma_start3A_55 = arith.constant 0 : i32
    %dma_start3A_56 = arith.constant 0 : i32
    %dma_start3A_57 = tpu.memref_slice %arg11[%dma_start3A_55, %dma_start3A_56] : memref<512x32xf32, #tpu.memory_space<vmem>> -> memref<128x32xf32, #tpu.memory_space<vmem>>
    %dma_start3A_58 = arith.constant 0 : i32
    %dma_start3A_59 = tpu.memref_slice %arg8[%dma_start3A_54, %dma_start3A_58] : memref<4x128xi32, #tpu.memory_space<vmem>> -> memref<1x128xi32, #tpu.memory_space<vmem>>
    %dma_start3A_60 = tpu.memref_squeeze %dma_start3A_59 : memref<1x128xi32, #tpu.memory_space<vmem>> -> memref<128xi32, #tpu.memory_space<vmem>>
    %dma_start3A_61 = arith.constant 0 : i32
    %dma_start3A_62 = arith.constant 0 : i32
    %dma_start3A_63 = tpu.memref_slice %arg5[%dma_start3A_61, %dma_start3A_62] : memref<1000x32xf32, #tpu.memory_space<hbm>> -> memref<1000x32xf32, #tpu.memory_space<hbm>>
    tpu.enqueue_indirect_dma source(%dma_start3A_63 : memref<1000x32xf32, #tpu.memory_space<hbm>>) target(%dma_start3A_57 : memref<128x32xf32, #tpu.memory_space<vmem>>) offsets(%dma_start3A_60 : memref<128xi32, #tpu.memory_space<vmem>>) semaphore(%arg14 : memref<!tpu.dma_semaphore, #tpu.memory_space<semaphore_mem>>)
    %dma_start3A_64 = arith.constant 1 : i32
    %dma_start3A_65 = arith.constant 128 : i32
    %dma_start3A_66 = arith.constant 0 : i32
    %dma_start3A_67 = tpu.memref_slice %arg11[%dma_start3A_65, %dma_start3A_66] : memref<512x32xf32, #tpu.memory_space<vmem>> -> memref<128x32xf32, #tpu.memory_space<vmem>>
    %dma_start3A_68 = arith.constant 0 : i32
    %dma_start3A_69 = tpu.memref_slice %arg8[%dma_start3A_64, %dma_start3A_68] : memref<4x128xi32, #tpu.memory_space<vmem>> -> memref<1x128xi32, #tpu.memory_space<vmem>>
    %dma_start3A_70 = tpu.memref_squeeze %dma_start3A_69 : memref<1x128xi32, #tpu.memory_space<vmem>> -> memref<128xi32, #tpu.memory_space<vmem>>
    %dma_start3A_71 = arith.constant 0 : i32
    %dma_start3A_72 = arith.constant 0 : i32
    %dma_start3A_73 = tpu.memref_slice %arg5[%dma_start3A_71, %dma_start3A_72] : memref<1000x32xf32, #tpu.memory_space<hbm>> -> memref<1000x32xf32, #tpu.memory_space<hbm>>
    tpu.enqueue_indirect_dma source(%dma_start3A_73 : memref<1000x32xf32, #tpu.memory_space<hbm>>) target(%dma_start3A_67 : memref<128x32xf32, #tpu.memory_space<vmem>>) offsets(%dma_start3A_70 : memref<128xi32, #tpu.memory_space<vmem>>) semaphore(%arg14 : memref<!tpu.dma_semaphore, #tpu.memory_space<semaphore_mem>>)
    %dma_start3A_74 = arith.constant 2 : i32
    %dma_start3A_75 = arith.constant 256 : i32
    %dma_start3A_76 = arith.constant 0 : i32
    %dma_start3A_77 = tpu.memref_slice %arg11[%dma_start3A_75, %dma_start3A_76] : memref<512x32xf32, #tpu.memory_space<vmem>> -> memref<128x32xf32, #tpu.memory_space<vmem>>
    %dma_start3A_78 = arith.constant 0 : i32
    %dma_start3A_79 = tpu.memref_slice %arg8[%dma_start3A_74, %dma_start3A_78] : memref<4x128xi32, #tpu.memory_space<vmem>> -> memref<1x128xi32, #tpu.memory_space<vmem>>
    %dma_start3A_80 = tpu.memref_squeeze %dma_start3A_79 : memref<1x128xi32, #tpu.memory_space<vmem>> -> memref<128xi32, #tpu.memory_space<vmem>>
    %dma_start3A_81 = arith.constant 0 : i32
    %dma_start3A_82 = arith.constant 0 : i32
    %dma_start3A_83 = tpu.memref_slice %arg5[%dma_start3A_81, %dma_start3A_82] : memref<1000x32xf32, #tpu.memory_space<hbm>> -> memref<1000x32xf32, #tpu.memory_space<hbm>>
    tpu.enqueue_indirect_dma source(%dma_start3A_83 : memref<1000x32xf32, #tpu.memory_space<hbm>>) target(%dma_start3A_77 : memref<128x32xf32, #tpu.memory_space<vmem>>) offsets(%dma_start3A_80 : memref<128xi32, #tpu.memory_space<vmem>>) semaphore(%arg14 : memref<!tpu.dma_semaphore, #tpu.memory_space<semaphore_mem>>)
    %dma_start3A_84 = arith.constant 3 : i32
    %dma_start3A_85 = arith.constant 384 : i32
    %dma_start3A_86 = arith.constant 0 : i32
    %dma_start3A_87 = tpu.memref_slice %arg11[%dma_start3A_85, %dma_start3A_86] : memref<512x32xf32, #tpu.memory_space<vmem>> -> memref<128x32xf32, #tpu.memory_space<vmem>>
    %dma_start3A_88 = arith.constant 0 : i32
    %dma_start3A_89 = tpu.memref_slice %arg8[%dma_start3A_84, %dma_start3A_88] : memref<4x128xi32, #tpu.memory_space<vmem>> -> memref<1x128xi32, #tpu.memory_space<vmem>>
    %dma_start3A_90 = tpu.memref_squeeze %dma_start3A_89 : memref<1x128xi32, #tpu.memory_space<vmem>> -> memref<128xi32, #tpu.memory_space<vmem>>
    %dma_start3A_91 = arith.constant 0 : i32
    %dma_start3A_92 = arith.constant 0 : i32
    %dma_start3A_93 = tpu.memref_slice %arg5[%dma_start3A_91, %dma_start3A_92] : memref<1000x32xf32, #tpu.memory_space<hbm>> -> memref<1000x32xf32, #tpu.memory_space<hbm>>
    tpu.enqueue_indirect_dma source(%dma_start3A_93 : memref<1000x32xf32, #tpu.memory_space<hbm>>) target(%dma_start3A_87 : memref<128x32xf32, #tpu.memory_space<vmem>>) offsets(%dma_start3A_90 : memref<128xi32, #tpu.memory_space<vmem>>) semaphore(%arg14 : memref<!tpu.dma_semaphore, #tpu.memory_space<semaphore_mem>>)
    %scan3A = arith.constant 0 : i32
    %scan3A_94 = arith.constant 0 : i32
    %scan3A_95 = arith.constant 50 : i32
    %scan3A_96 = arith.addi %scan3A_94, %scan3A_95 : i32
    %scan3A_97 = arith.constant 1 : i32
    %scan3A_98 = scf.for %scan3A_142 = %scan3A_94 to %scan3A_96 step %scan3A_97 iter_args(%scan3A_143 = %scan3A) -> (i32)  : i32 {
      %dma_wait3A_144 = arith.constant 0 : i32
      %dma_wait3A_145 = arith.constant 0 : i32
      %dma_wait3A_146 = arith.constant 0 : i32
      %dma_wait3A_147 = arith.constant 0 : i32
      %dma_wait3A_148 = tpu.memref_slice %arg12[%dma_wait3A_145, %dma_wait3A_146, %dma_wait3A_147] : memref<4x128x32xf32, #tpu.memory_space<vmem>> -> memref<1x128x32xf32, #tpu.memory_space<vmem>>
      %dma_wait3A_149 = tpu.memref_squeeze %dma_wait3A_148 : memref<1x128x32xf32, #tpu.memory_space<vmem>> -> memref<128x32xf32, #tpu.memory_space<vmem>>
      %dma_wait3A_150 = arith.constant 0 : i32
      %dma_wait3A_151 = tpu.memref_slice %arg9[%scan3A_142, %dma_wait3A_144, %dma_wait3A_150] : memref<50x4x128xi32, #tpu.memory_space<vmem>> -> memref<1x1x128xi32, #tpu.memory_space<vmem>>
      %dma_wait3A_152 = tpu.memref_squeeze %dma_wait3A_151 : memref<1x1x128xi32, #tpu.memory_space<vmem>> -> memref<128xi32, #tpu.memory_space<vmem>>
      %dma_wait3A_153 = arith.constant 0 : i32
      %dma_wait3A_154 = arith.constant 0 : i32
      %dma_wait3A_155 = tpu.memref_slice %arg6[%dma_wait3A_153, %dma_wait3A_154] : memref<114688x32xf32, #tpu.memory_space<hbm>> -> memref<114688x32xf32, #tpu.memory_space<hbm>>
      tpu.wait_indirect_dma semaphore(%arg15 : memref<!tpu.dma_semaphore, #tpu.memory_space<semaphore_mem>>) src(%dma_wait3A_155 : memref<114688x32xf32, #tpu.memory_space<hbm>>) dst(%dma_wait3A_149 : memref<128x32xf32, #tpu.memory_space<vmem>>)
      %eq3A = arith.constant 0 : i32
      %eq3A_156 = arith.cmpi eq, %scan3A_142, %eq3A : i32
      %convert_element_type3A = arith.extui %eq3A_156 : i1 to i32
      %cond3A = arith.constant 0 : i32
      %cond3A_157 = arith.constant 0 : i32
      %cond3A_158 = arith.cmpi ne, %convert_element_type3A, %cond3A_157 : i32
      scf.if %cond3A_158 {
        %run_scoped3A_256 = arith.constant 0 : i32
        "tpu.region"() ({
          %run_scoped3A_257 = tpu.sem_alloc : memref<!tpu.dma_semaphore, #tpu.memory_space<semaphore_mem>>
          %dma_start3A_258 = arith.constant 0 : i32
          %dma_start3A_259 = arith.constant 0 : i32
          %dma_start3A_260 = tpu.memref_slice %arg12[%run_scoped3A_256, %dma_start3A_258, %dma_start3A_259] : memref<4x128x32xf32, #tpu.memory_space<vmem>> -> memref<1x128x32xf32, #tpu.memory_space<vmem>>
          %dma_start3A_261 = tpu.memref_squeeze %dma_start3A_260 : memref<1x128x32xf32, #tpu.memory_space<vmem>> -> memref<128x32xf32, #tpu.memory_space<vmem>>
          %dma_start3A_262 = arith.constant 0 : i32
          %dma_start3A_263 = tpu.memref_slice %arg10[%cond3A, %dma_start3A_262] : memref<4x128xi32, #tpu.memory_space<vmem>> -> memref<1x128xi32, #tpu.memory_space<vmem>>
          %dma_start3A_264 = tpu.memref_squeeze %dma_start3A_263 : memref<1x128xi32, #tpu.memory_space<vmem>> -> memref<128xi32, #tpu.memory_space<vmem>>
          %dma_start3A_265 = arith.constant 0 : i32
          %dma_start3A_266 = arith.constant 0 : i32
          %dma_start3A_267 = tpu.memref_slice %arg13[%dma_start3A_265, %dma_start3A_266] : memref<8192x32xf32, #tpu.memory_space<vmem_shared>> -> memref<8192x32xf32, #tpu.memory_space<vmem_shared>>
          tpu.enqueue_indirect_dma source(%dma_start3A_261 : memref<128x32xf32, #tpu.memory_space<vmem>>) target(%dma_start3A_267 : memref<8192x32xf32, #tpu.memory_space<vmem_shared>>) offsets(%dma_start3A_264 : memref<128xi32, #tpu.memory_space<vmem>>) semaphore(%run_scoped3A_257 : memref<!tpu.dma_semaphore, #tpu.memory_space<semaphore_mem>>)
          %dma_wait3A_268 = arith.constant 0 : i32
          %dma_wait3A_269 = arith.constant 0 : i32
          %dma_wait3A_270 = tpu.memref_slice %arg12[%run_scoped3A_256, %dma_wait3A_268, %dma_wait3A_269] : memref<4x128x32xf32, #tpu.memory_space<vmem>> -> memref<1x128x32xf32, #tpu.memory_space<vmem>>
          %dma_wait3A_271 = tpu.memref_squeeze %dma_wait3A_270 : memref<1x128x32xf32, #tpu.memory_space<vmem>> -> memref<128x32xf32, #tpu.memory_space<vmem>>
          %dma_wait3A_272 = arith.constant 0 : i32
          %dma_wait3A_273 = tpu.memref_slice %arg10[%cond3A, %dma_wait3A_272] : memref<4x128xi32, #tpu.memory_space<vmem>> -> memref<1x128xi32, #tpu.memory_space<vmem>>
          %dma_wait3A_274 = tpu.memref_squeeze %dma_wait3A_273 : memref<1x128xi32, #tpu.memory_space<vmem>> -> memref<128xi32, #tpu.memory_space<vmem>>
          %dma_wait3A_275 = arith.constant 0 : i32
          %dma_wait3A_276 = arith.constant 0 : i32
          %dma_wait3A_277 = tpu.memref_slice %arg13[%dma_wait3A_275, %dma_wait3A_276] : memref<8192x32xf32, #tpu.memory_space<vmem_shared>> -> memref<8192x32xf32, #tpu.memory_space<vmem_shared>>
          tpu.wait_indirect_dma semaphore(%run_scoped3A_257 : memref<!tpu.dma_semaphore, #tpu.memory_space<semaphore_mem>>) src(%dma_wait3A_271 : memref<128x32xf32, #tpu.memory_space<vmem>>) dst(%dma_wait3A_277 : memref<8192x32xf32, #tpu.memory_space<vmem_shared>>)
          tpu.yield
        }) : () -> ()
      } else {
      }
      %gt3A = arith.constant 0 : i32
      %gt3A_159 = arith.cmpi sgt, %scan3A_142, %gt3A : i32
      %convert_element_type3A_160 = arith.extui %gt3A_159 : i1 to i32
      %cond3A_161 = arith.constant 0 : i32
      %cond3A_162 = arith.constant 0 : i32
      %cond3A_163 = arith.cmpi ne, %convert_element_type3A_160, %cond3A_162 : i32
      scf.if %cond3A_163 {
        %run_scoped3A_256 = arith.constant 0 : i32
        "tpu.region"() ({
          %run_scoped3A_257 = tpu.sem_alloc : memref<!tpu.dma_semaphore, #tpu.memory_space<semaphore_mem>>
          %dma_start3A_258 = arith.constant 0 : i32
          %dma_start3A_259 = arith.constant 0 : i32
          %dma_start3A_260 = tpu.memref_slice %arg12[%run_scoped3A_256, %dma_start3A_258, %dma_start3A_259] : memref<4x128x32xf32, #tpu.memory_space<vmem>> -> memref<1x128x32xf32, #tpu.memory_space<vmem>>
          %dma_start3A_261 = tpu.memref_squeeze %dma_start3A_260 : memref<1x128x32xf32, #tpu.memory_space<vmem>> -> memref<128x32xf32, #tpu.memory_space<vmem>>
          %dma_start3A_262 = arith.constant 0 : i32
          %dma_start3A_263 = tpu.memref_slice %arg10[%cond3A_161, %dma_start3A_262] : memref<4x128xi32, #tpu.memory_space<vmem>> -> memref<1x128xi32, #tpu.memory_space<vmem>>
          %dma_start3A_264 = tpu.memref_squeeze %dma_start3A_263 : memref<1x128xi32, #tpu.memory_space<vmem>> -> memref<128xi32, #tpu.memory_space<vmem>>
          %dma_start3A_265 = arith.constant 0 : i32
          %dma_start3A_266 = arith.constant 0 : i32
          %dma_start3A_267 = tpu.memref_slice %arg13[%dma_start3A_265, %dma_start3A_266] : memref<8192x32xf32, #tpu.memory_space<vmem_shared>> -> memref<8192x32xf32, #tpu.memory_space<vmem_shared>>
          tpu.enqueue_indirect_dma source(%dma_start3A_261 : memref<128x32xf32, #tpu.memory_space<vmem>>) target(%dma_start3A_267 : memref<8192x32xf32, #tpu.memory_space<vmem_shared>>) offsets(%dma_start3A_264 : memref<128xi32, #tpu.memory_space<vmem>>) semaphore(%run_scoped3A_257 : memref<!tpu.dma_semaphore, #tpu.memory_space<semaphore_mem>>) {add = true}
          %dma_wait3A_268 = arith.constant 0 : i32
          %dma_wait3A_269 = arith.constant 0 : i32
          %dma_wait3A_270 = tpu.memref_slice %arg12[%run_scoped3A_256, %dma_wait3A_268, %dma_wait3A_269] : memref<4x128x32xf32, #tpu.memory_space<vmem>> -> memref<1x128x32xf32, #tpu.memory_space<vmem>>
          %dma_wait3A_271 = tpu.memref_squeeze %dma_wait3A_270 : memref<1x128x32xf32, #tpu.memory_space<vmem>> -> memref<128x32xf32, #tpu.memory_space<vmem>>
          %dma_wait3A_272 = arith.constant 0 : i32
          %dma_wait3A_273 = tpu.memref_slice %arg10[%cond3A_161, %dma_wait3A_272] : memref<4x128xi32, #tpu.memory_space<vmem>> -> memref<1x128xi32, #tpu.memory_space<vmem>>
          %dma_wait3A_274 = tpu.memref_squeeze %dma_wait3A_273 : memref<1x128xi32, #tpu.memory_space<vmem>> -> memref<128xi32, #tpu.memory_space<vmem>>
          %dma_wait3A_275 = arith.constant 0 : i32
          %dma_wait3A_276 = arith.constant 0 : i32
          %dma_wait3A_277 = tpu.memref_slice %arg13[%dma_wait3A_275, %dma_wait3A_276] : memref<8192x32xf32, #tpu.memory_space<vmem_shared>> -> memref<8192x32xf32, #tpu.memory_space<vmem_shared>>
          tpu.wait_indirect_dma semaphore(%run_scoped3A_257 : memref<!tpu.dma_semaphore, #tpu.memory_space<semaphore_mem>>) src(%dma_wait3A_271 : memref<128x32xf32, #tpu.memory_space<vmem>>) dst(%dma_wait3A_277 : memref<8192x32xf32, #tpu.memory_space<vmem_shared>>)
          tpu.yield
        }) : () -> ()
      } else {
      }
      %lt3A = arith.constant 49 : i32
      %lt3A_164 = arith.cmpi slt, %scan3A_142, %lt3A : i32
      %convert_element_type3A_165 = arith.extui %lt3A_164 : i1 to i32
      %cond3A_166 = arith.constant 0 : i32
      %cond3A_167 = arith.cmpi ne, %convert_element_type3A_165, %cond3A_166 : i32
      scf.if %cond3A_167 {
        %add3A_256 = arith.constant 1 : i32
        %add3A_257 = arith.addi %scan3A_142, %add3A_256 : i32
        %dma_start3A_258 = arith.constant 0 : i32
        %dma_start3A_259 = arith.constant 0 : i32
        %dma_start3A_260 = arith.constant 0 : i32
        %dma_start3A_261 = arith.constant 0 : i32
        %dma_start3A_262 = tpu.memref_slice %arg12[%dma_start3A_259, %dma_start3A_260, %dma_start3A_261] : memref<4x128x32xf32, #tpu.memory_space<vmem>> -> memref<1x128x32xf32, #tpu.memory_space<vmem>>
        %dma_start3A_263 = tpu.memref_squeeze %dma_start3A_262 : memref<1x128x32xf32, #tpu.memory_space<vmem>> -> memref<128x32xf32, #tpu.memory_space<vmem>>
        %dma_start3A_264 = arith.constant 0 : i32
        %dma_start3A_265 = tpu.memref_slice %arg9[%add3A_257, %dma_start3A_258, %dma_start3A_264] : memref<50x4x128xi32, #tpu.memory_space<vmem>> -> memref<1x1x128xi32, #tpu.memory_space<vmem>>
        %dma_start3A_266 = tpu.memref_squeeze %dma_start3A_265 : memref<1x1x128xi32, #tpu.memory_space<vmem>> -> memref<128xi32, #tpu.memory_space<vmem>>
        %dma_start3A_267 = arith.constant 0 : i32
        %dma_start3A_268 = arith.constant 0 : i32
        %dma_start3A_269 = tpu.memref_slice %arg6[%dma_start3A_267, %dma_start3A_268] : memref<114688x32xf32, #tpu.memory_space<hbm>> -> memref<114688x32xf32, #tpu.memory_space<hbm>>
        tpu.enqueue_indirect_dma source(%dma_start3A_269 : memref<114688x32xf32, #tpu.memory_space<hbm>>) target(%dma_start3A_263 : memref<128x32xf32, #tpu.memory_space<vmem>>) offsets(%dma_start3A_266 : memref<128xi32, #tpu.memory_space<vmem>>) semaphore(%arg15 : memref<!tpu.dma_semaphore, #tpu.memory_space<semaphore_mem>>)
      } else {
      }
      %dma_wait3A_168 = arith.constant 1 : i32
      %dma_wait3A_169 = arith.constant 1 : i32
      %dma_wait3A_170 = arith.constant 0 : i32
      %dma_wait3A_171 = arith.constant 0 : i32
      %dma_wait3A_172 = tpu.memref_slice %arg12[%dma_wait3A_169, %dma_wait3A_170, %dma_wait3A_171] : memref<4x128x32xf32, #tpu.memory_space<vmem>> -> memref<1x128x32xf32, #tpu.memory_space<vmem>>
      %dma_wait3A_173 = tpu.memref_squeeze %dma_wait3A_172 : memref<1x128x32xf32, #tpu.memory_space<vmem>> -> memref<128x32xf32, #tpu.memory_space<vmem>>
      %dma_wait3A_174 = arith.constant 0 : i32
      %dma_wait3A_175 = tpu.memref_slice %arg9[%scan3A_142, %dma_wait3A_168, %dma_wait3A_174] : memref<50x4x128xi32, #tpu.memory_space<vmem>> -> memref<1x1x128xi32, #tpu.memory_space<vmem>>
      %dma_wait3A_176 = tpu.memref_squeeze %dma_wait3A_175 : memref<1x1x128xi32, #tpu.memory_space<vmem>> -> memref<128xi32, #tpu.memory_space<vmem>>
      %dma_wait3A_177 = arith.constant 0 : i32
      %dma_wait3A_178 = arith.constant 0 : i32
      %dma_wait3A_179 = tpu.memref_slice %arg6[%dma_wait3A_177, %dma_wait3A_178] : memref<114688x32xf32, #tpu.memory_space<hbm>> -> memref<114688x32xf32, #tpu.memory_space<hbm>>
      tpu.wait_indirect_dma semaphore(%arg16 : memref<!tpu.dma_semaphore, #tpu.memory_space<semaphore_mem>>) src(%dma_wait3A_179 : memref<114688x32xf32, #tpu.memory_space<hbm>>) dst(%dma_wait3A_173 : memref<128x32xf32, #tpu.memory_space<vmem>>)
      %eq3A_180 = arith.constant 0 : i32
      %eq3A_181 = arith.cmpi eq, %scan3A_142, %eq3A_180 : i32
      %convert_element_type3A_182 = arith.extui %eq3A_181 : i1 to i32
      %cond3A_183 = arith.constant 1 : i32
      %cond3A_184 = arith.constant 0 : i32
      %cond3A_185 = arith.cmpi ne, %convert_element_type3A_182, %cond3A_184 : i32
      scf.if %cond3A_185 {
        %run_scoped3A_256 = arith.constant 1 : i32
        "tpu.region"() ({
          %run_scoped3A_257 = tpu.sem_alloc : memref<!tpu.dma_semaphore, #tpu.memory_space<semaphore_mem>>
          %dma_start3A_258 = arith.constant 0 : i32
          %dma_start3A_259 = arith.constant 0 : i32
          %dma_start3A_260 = tpu.memref_slice %arg12[%run_scoped3A_256, %dma_start3A_258, %dma_start3A_259] : memref<4x128x32xf32, #tpu.memory_space<vmem>> -> memref<1x128x32xf32, #tpu.memory_space<vmem>>
          %dma_start3A_261 = tpu.memref_squeeze %dma_start3A_260 : memref<1x128x32xf32, #tpu.memory_space<vmem>> -> memref<128x32xf32, #tpu.memory_space<vmem>>
          %dma_start3A_262 = arith.constant 0 : i32
          %dma_start3A_263 = tpu.memref_slice %arg10[%cond3A_183, %dma_start3A_262] : memref<4x128xi32, #tpu.memory_space<vmem>> -> memref<1x128xi32, #tpu.memory_space<vmem>>
          %dma_start3A_264 = tpu.memref_squeeze %dma_start3A_263 : memref<1x128xi32, #tpu.memory_space<vmem>> -> memref<128xi32, #tpu.memory_space<vmem>>
          %dma_start3A_265 = arith.constant 0 : i32
          %dma_start3A_266 = arith.constant 0 : i32
          %dma_start3A_267 = tpu.memref_slice %arg13[%dma_start3A_265, %dma_start3A_266] : memref<8192x32xf32, #tpu.memory_space<vmem_shared>> -> memref<8192x32xf32, #tpu.memory_space<vmem_shared>>
          tpu.enqueue_indirect_dma source(%dma_start3A_261 : memref<128x32xf32, #tpu.memory_space<vmem>>) target(%dma_start3A_267 : memref<8192x32xf32, #tpu.memory_space<vmem_shared>>) offsets(%dma_start3A_264 : memref<128xi32, #tpu.memory_space<vmem>>) semaphore(%run_scoped3A_257 : memref<!tpu.dma_semaphore, #tpu.memory_space<semaphore_mem>>)
          %dma_wait3A_268 = arith.constant 0 : i32
          %dma_wait3A_269 = arith.constant 0 : i32
          %dma_wait3A_270 = tpu.memref_slice %arg12[%run_scoped3A_256, %dma_wait3A_268, %dma_wait3A_269] : memref<4x128x32xf32, #tpu.memory_space<vmem>> -> memref<1x128x32xf32, #tpu.memory_space<vmem>>
          %dma_wait3A_271 = tpu.memref_squeeze %dma_wait3A_270 : memref<1x128x32xf32, #tpu.memory_space<vmem>> -> memref<128x32xf32, #tpu.memory_space<vmem>>
          %dma_wait3A_272 = arith.constant 0 : i32
          %dma_wait3A_273 = tpu.memref_slice %arg10[%cond3A_183, %dma_wait3A_272] : memref<4x128xi32, #tpu.memory_space<vmem>> -> memref<1x128xi32, #tpu.memory_space<vmem>>
          %dma_wait3A_274 = tpu.memref_squeeze %dma_wait3A_273 : memref<1x128xi32, #tpu.memory_space<vmem>> -> memref<128xi32, #tpu.memory_space<vmem>>
          %dma_wait3A_275 = arith.constant 0 : i32
          %dma_wait3A_276 = arith.constant 0 : i32
          %dma_wait3A_277 = tpu.memref_slice %arg13[%dma_wait3A_275, %dma_wait3A_276] : memref<8192x32xf32, #tpu.memory_space<vmem_shared>> -> memref<8192x32xf32, #tpu.memory_space<vmem_shared>>
          tpu.wait_indirect_dma semaphore(%run_scoped3A_257 : memref<!tpu.dma_semaphore, #tpu.memory_space<semaphore_mem>>) src(%dma_wait3A_271 : memref<128x32xf32, #tpu.memory_space<vmem>>) dst(%dma_wait3A_277 : memref<8192x32xf32, #tpu.memory_space<vmem_shared>>)
          tpu.yield
        }) : () -> ()
      } else {
      }
      %gt3A_186 = arith.constant 0 : i32
      %gt3A_187 = arith.cmpi sgt, %scan3A_142, %gt3A_186 : i32
      %convert_element_type3A_188 = arith.extui %gt3A_187 : i1 to i32
      %cond3A_189 = arith.constant 1 : i32
      %cond3A_190 = arith.constant 0 : i32
      %cond3A_191 = arith.cmpi ne, %convert_element_type3A_188, %cond3A_190 : i32
      scf.if %cond3A_191 {
        %run_scoped3A_256 = arith.constant 1 : i32
        "tpu.region"() ({
          %run_scoped3A_257 = tpu.sem_alloc : memref<!tpu.dma_semaphore, #tpu.memory_space<semaphore_mem>>
          %dma_start3A_258 = arith.constant 0 : i32
          %dma_start3A_259 = arith.constant 0 : i32
          %dma_start3A_260 = tpu.memref_slice %arg12[%run_scoped3A_256, %dma_start3A_258, %dma_start3A_259] : memref<4x128x32xf32, #tpu.memory_space<vmem>> -> memref<1x128x32xf32, #tpu.memory_space<vmem>>
          %dma_start3A_261 = tpu.memref_squeeze %dma_start3A_260 : memref<1x128x32xf32, #tpu.memory_space<vmem>> -> memref<128x32xf32, #tpu.memory_space<vmem>>
          %dma_start3A_262 = arith.constant 0 : i32
          %dma_start3A_263 = tpu.memref_slice %arg10[%cond3A_189, %dma_start3A_262] : memref<4x128xi32, #tpu.memory_space<vmem>> -> memref<1x128xi32, #tpu.memory_space<vmem>>
          %dma_start3A_264 = tpu.memref_squeeze %dma_start3A_263 : memref<1x128xi32, #tpu.memory_space<vmem>> -> memref<128xi32, #tpu.memory_space<vmem>>
          %dma_start3A_265 = arith.constant 0 : i32
          %dma_start3A_266 = arith.constant 0 : i32
          %dma_start3A_267 = tpu.memref_slice %arg13[%dma_start3A_265, %dma_start3A_266] : memref<8192x32xf32, #tpu.memory_space<vmem_shared>> -> memref<8192x32xf32, #tpu.memory_space<vmem_shared>>
          tpu.enqueue_indirect_dma source(%dma_start3A_261 : memref<128x32xf32, #tpu.memory_space<vmem>>) target(%dma_start3A_267 : memref<8192x32xf32, #tpu.memory_space<vmem_shared>>) offsets(%dma_start3A_264 : memref<128xi32, #tpu.memory_space<vmem>>) semaphore(%run_scoped3A_257 : memref<!tpu.dma_semaphore, #tpu.memory_space<semaphore_mem>>) {add = true}
          %dma_wait3A_268 = arith.constant 0 : i32
          %dma_wait3A_269 = arith.constant 0 : i32
          %dma_wait3A_270 = tpu.memref_slice %arg12[%run_scoped3A_256, %dma_wait3A_268, %dma_wait3A_269] : memref<4x128x32xf32, #tpu.memory_space<vmem>> -> memref<1x128x32xf32, #tpu.memory_space<vmem>>
          %dma_wait3A_271 = tpu.memref_squeeze %dma_wait3A_270 : memref<1x128x32xf32, #tpu.memory_space<vmem>> -> memref<128x32xf32, #tpu.memory_space<vmem>>
          %dma_wait3A_272 = arith.constant 0 : i32
          %dma_wait3A_273 = tpu.memref_slice %arg10[%cond3A_189, %dma_wait3A_272] : memref<4x128xi32, #tpu.memory_space<vmem>> -> memref<1x128xi32, #tpu.memory_space<vmem>>
          %dma_wait3A_274 = tpu.memref_squeeze %dma_wait3A_273 : memref<1x128xi32, #tpu.memory_space<vmem>> -> memref<128xi32, #tpu.memory_space<vmem>>
          %dma_wait3A_275 = arith.constant 0 : i32
          %dma_wait3A_276 = arith.constant 0 : i32
          %dma_wait3A_277 = tpu.memref_slice %arg13[%dma_wait3A_275, %dma_wait3A_276] : memref<8192x32xf32, #tpu.memory_space<vmem_shared>> -> memref<8192x32xf32, #tpu.memory_space<vmem_shared>>
          tpu.wait_indirect_dma semaphore(%run_scoped3A_257 : memref<!tpu.dma_semaphore, #tpu.memory_space<semaphore_mem>>) src(%dma_wait3A_271 : memref<128x32xf32, #tpu.memory_space<vmem>>) dst(%dma_wait3A_277 : memref<8192x32xf32, #tpu.memory_space<vmem_shared>>)
          tpu.yield
        }) : () -> ()
      } else {
      }
      %lt3A_192 = arith.constant 49 : i32
      %lt3A_193 = arith.cmpi slt, %scan3A_142, %lt3A_192 : i32
      %convert_element_type3A_194 = arith.extui %lt3A_193 : i1 to i32
      %cond3A_195 = arith.constant 0 : i32
      %cond3A_196 = arith.cmpi ne, %convert_element_type3A_194, %cond3A_195 : i32
      scf.if %cond3A_196 {
        %add3A_256 = arith.constant 1 : i32
        %add3A_257 = arith.addi %scan3A_142, %add3A_256 : i32
        %dma_start3A_258 = arith.constant 1 : i32
        %dma_start3A_259 = arith.constant 1 : i32
        %dma_start3A_260 = arith.constant 0 : i32
        %dma_start3A_261 = arith.constant 0 : i32
        %dma_start3A_262 = tpu.memref_slice %arg12[%dma_start3A_259, %dma_start3A_260, %dma_start3A_261] : memref<4x128x32xf32, #tpu.memory_space<vmem>> -> memref<1x128x32xf32, #tpu.memory_space<vmem>>
        %dma_start3A_263 = tpu.memref_squeeze %dma_start3A_262 : memref<1x128x32xf32, #tpu.memory_space<vmem>> -> memref<128x32xf32, #tpu.memory_space<vmem>>
        %dma_start3A_264 = arith.constant 0 : i32
        %dma_start3A_265 = tpu.memref_slice %arg9[%add3A_257, %dma_start3A_258, %dma_start3A_264] : memref<50x4x128xi32, #tpu.memory_space<vmem>> -> memref<1x1x128xi32, #tpu.memory_space<vmem>>
        %dma_start3A_266 = tpu.memref_squeeze %dma_start3A_265 : memref<1x1x128xi32, #tpu.memory_space<vmem>> -> memref<128xi32, #tpu.memory_space<vmem>>
        %dma_start3A_267 = arith.constant 0 : i32
        %dma_start3A_268 = arith.constant 0 : i32
        %dma_start3A_269 = tpu.memref_slice %arg6[%dma_start3A_267, %dma_start3A_268] : memref<114688x32xf32, #tpu.memory_space<hbm>> -> memref<114688x32xf32, #tpu.memory_space<hbm>>
        tpu.enqueue_indirect_dma source(%dma_start3A_269 : memref<114688x32xf32, #tpu.memory_space<hbm>>) target(%dma_start3A_263 : memref<128x32xf32, #tpu.memory_space<vmem>>) offsets(%dma_start3A_266 : memref<128xi32, #tpu.memory_space<vmem>>) semaphore(%arg16 : memref<!tpu.dma_semaphore, #tpu.memory_space<semaphore_mem>>)
      } else {
      }
      %dma_wait3A_197 = arith.constant 2 : i32
      %dma_wait3A_198 = arith.constant 2 : i32
      %dma_wait3A_199 = arith.constant 0 : i32
      %dma_wait3A_200 = arith.constant 0 : i32
      %dma_wait3A_201 = tpu.memref_slice %arg12[%dma_wait3A_198, %dma_wait3A_199, %dma_wait3A_200] : memref<4x128x32xf32, #tpu.memory_space<vmem>> -> memref<1x128x32xf32, #tpu.memory_space<vmem>>
      %dma_wait3A_202 = tpu.memref_squeeze %dma_wait3A_201 : memref<1x128x32xf32, #tpu.memory_space<vmem>> -> memref<128x32xf32, #tpu.memory_space<vmem>>
      %dma_wait3A_203 = arith.constant 0 : i32
      %dma_wait3A_204 = tpu.memref_slice %arg9[%scan3A_142, %dma_wait3A_197, %dma_wait3A_203] : memref<50x4x128xi32, #tpu.memory_space<vmem>> -> memref<1x1x128xi32, #tpu.memory_space<vmem>>
      %dma_wait3A_205 = tpu.memref_squeeze %dma_wait3A_204 : memref<1x1x128xi32, #tpu.memory_space<vmem>> -> memref<128xi32, #tpu.memory_space<vmem>>
      %dma_wait3A_206 = arith.constant 0 : i32
      %dma_wait3A_207 = arith.constant 0 : i32
      %dma_wait3A_208 = tpu.memref_slice %arg6[%dma_wait3A_206, %dma_wait3A_207] : memref<114688x32xf32, #tpu.memory_space<hbm>> -> memref<114688x32xf32, #tpu.memory_space<hbm>>
      tpu.wait_indirect_dma semaphore(%arg17 : memref<!tpu.dma_semaphore, #tpu.memory_space<semaphore_mem>>) src(%dma_wait3A_208 : memref<114688x32xf32, #tpu.memory_space<hbm>>) dst(%dma_wait3A_202 : memref<128x32xf32, #tpu.memory_space<vmem>>)
      %eq3A_209 = arith.constant 0 : i32
      %eq3A_210 = arith.cmpi eq, %scan3A_142, %eq3A_209 : i32
      %convert_element_type3A_211 = arith.extui %eq3A_210 : i1 to i32
      %cond3A_212 = arith.constant 2 : i32
      %cond3A_213 = arith.constant 0 : i32
      %cond3A_214 = arith.cmpi ne, %convert_element_type3A_211, %cond3A_213 : i32
      scf.if %cond3A_214 {
        %run_scoped3A_256 = arith.constant 2 : i32
        "tpu.region"() ({
          %run_scoped3A_257 = tpu.sem_alloc : memref<!tpu.dma_semaphore, #tpu.memory_space<semaphore_mem>>
          %dma_start3A_258 = arith.constant 0 : i32
          %dma_start3A_259 = arith.constant 0 : i32
          %dma_start3A_260 = tpu.memref_slice %arg12[%run_scoped3A_256, %dma_start3A_258, %dma_start3A_259] : memref<4x128x32xf32, #tpu.memory_space<vmem>> -> memref<1x128x32xf32, #tpu.memory_space<vmem>>
          %dma_start3A_261 = tpu.memref_squeeze %dma_start3A_260 : memref<1x128x32xf32, #tpu.memory_space<vmem>> -> memref<128x32xf32, #tpu.memory_space<vmem>>
          %dma_start3A_262 = arith.constant 0 : i32
          %dma_start3A_263 = tpu.memref_slice %arg10[%cond3A_212, %dma_start3A_262] : memref<4x128xi32, #tpu.memory_space<vmem>> -> memref<1x128xi32, #tpu.memory_space<vmem>>
          %dma_start3A_264 = tpu.memref_squeeze %dma_start3A_263 : memref<1x128xi32, #tpu.memory_space<vmem>> -> memref<128xi32, #tpu.memory_space<vmem>>
          %dma_start3A_265 = arith.constant 0 : i32
          %dma_start3A_266 = arith.constant 0 : i32
          %dma_start3A_267 = tpu.memref_slice %arg13[%dma_start3A_265, %dma_start3A_266] : memref<8192x32xf32, #tpu.memory_space<vmem_shared>> -> memref<8192x32xf32, #tpu.memory_space<vmem_shared>>
          tpu.enqueue_indirect_dma source(%dma_start3A_261 : memref<128x32xf32, #tpu.memory_space<vmem>>) target(%dma_start3A_267 : memref<8192x32xf32, #tpu.memory_space<vmem_shared>>) offsets(%dma_start3A_264 : memref<128xi32, #tpu.memory_space<vmem>>) semaphore(%run_scoped3A_257 : memref<!tpu.dma_semaphore, #tpu.memory_space<semaphore_mem>>)
          %dma_wait3A_268 = arith.constant 0 : i32
          %dma_wait3A_269 = arith.constant 0 : i32
          %dma_wait3A_270 = tpu.memref_slice %arg12[%run_scoped3A_256, %dma_wait3A_268, %dma_wait3A_269] : memref<4x128x32xf32, #tpu.memory_space<vmem>> -> memref<1x128x32xf32, #tpu.memory_space<vmem>>
          %dma_wait3A_271 = tpu.memref_squeeze %dma_wait3A_270 : memref<1x128x32xf32, #tpu.memory_space<vmem>> -> memref<128x32xf32, #tpu.memory_space<vmem>>
          %dma_wait3A_272 = arith.constant 0 : i32
          %dma_wait3A_273 = tpu.memref_slice %arg10[%cond3A_212, %dma_wait3A_272] : memref<4x128xi32, #tpu.memory_space<vmem>> -> memref<1x128xi32, #tpu.memory_space<vmem>>
          %dma_wait3A_274 = tpu.memref_squeeze %dma_wait3A_273 : memref<1x128xi32, #tpu.memory_space<vmem>> -> memref<128xi32, #tpu.memory_space<vmem>>
          %dma_wait3A_275 = arith.constant 0 : i32
          %dma_wait3A_276 = arith.constant 0 : i32
          %dma_wait3A_277 = tpu.memref_slice %arg13[%dma_wait3A_275, %dma_wait3A_276] : memref<8192x32xf32, #tpu.memory_space<vmem_shared>> -> memref<8192x32xf32, #tpu.memory_space<vmem_shared>>
          tpu.wait_indirect_dma semaphore(%run_scoped3A_257 : memref<!tpu.dma_semaphore, #tpu.memory_space<semaphore_mem>>) src(%dma_wait3A_271 : memref<128x32xf32, #tpu.memory_space<vmem>>) dst(%dma_wait3A_277 : memref<8192x32xf32, #tpu.memory_space<vmem_shared>>)
          tpu.yield
        }) : () -> ()
      } else {
      }
      %gt3A_215 = arith.constant 0 : i32
      %gt3A_216 = arith.cmpi sgt, %scan3A_142, %gt3A_215 : i32
      %convert_element_type3A_217 = arith.extui %gt3A_216 : i1 to i32
      %cond3A_218 = arith.constant 2 : i32
      %cond3A_219 = arith.constant 0 : i32
      %cond3A_220 = arith.cmpi ne, %convert_element_type3A_217, %cond3A_219 : i32
      scf.if %cond3A_220 {
        %run_scoped3A_256 = arith.constant 2 : i32
        "tpu.region"() ({
          %run_scoped3A_257 = tpu.sem_alloc : memref<!tpu.dma_semaphore, #tpu.memory_space<semaphore_mem>>
          %dma_start3A_258 = arith.constant 0 : i32
          %dma_start3A_259 = arith.constant 0 : i32
          %dma_start3A_260 = tpu.memref_slice %arg12[%run_scoped3A_256, %dma_start3A_258, %dma_start3A_259] : memref<4x128x32xf32, #tpu.memory_space<vmem>> -> memref<1x128x32xf32, #tpu.memory_space<vmem>>
          %dma_start3A_261 = tpu.memref_squeeze %dma_start3A_260 : memref<1x128x32xf32, #tpu.memory_space<vmem>> -> memref<128x32xf32, #tpu.memory_space<vmem>>
          %dma_start3A_262 = arith.constant 0 : i32
          %dma_start3A_263 = tpu.memref_slice %arg10[%cond3A_218, %dma_start3A_262] : memref<4x128xi32, #tpu.memory_space<vmem>> -> memref<1x128xi32, #tpu.memory_space<vmem>>
          %dma_start3A_264 = tpu.memref_squeeze %dma_start3A_263 : memref<1x128xi32, #tpu.memory_space<vmem>> -> memref<128xi32, #tpu.memory_space<vmem>>
          %dma_start3A_265 = arith.constant 0 : i32
          %dma_start3A_266 = arith.constant 0 : i32
          %dma_start3A_267 = tpu.memref_slice %arg13[%dma_start3A_265, %dma_start3A_266] : memref<8192x32xf32, #tpu.memory_space<vmem_shared>> -> memref<8192x32xf32, #tpu.memory_space<vmem_shared>>
          tpu.enqueue_indirect_dma source(%dma_start3A_261 : memref<128x32xf32, #tpu.memory_space<vmem>>) target(%dma_start3A_267 : memref<8192x32xf32, #tpu.memory_space<vmem_shared>>) offsets(%dma_start3A_264 : memref<128xi32, #tpu.memory_space<vmem>>) semaphore(%run_scoped3A_257 : memref<!tpu.dma_semaphore, #tpu.memory_space<semaphore_mem>>) {add = true}
          %dma_wait3A_268 = arith.constant 0 : i32
          %dma_wait3A_269 = arith.constant 0 : i32
          %dma_wait3A_270 = tpu.memref_slice %arg12[%run_scoped3A_256, %dma_wait3A_268, %dma_wait3A_269] : memref<4x128x32xf32, #tpu.memory_space<vmem>> -> memref<1x128x32xf32, #tpu.memory_space<vmem>>
          %dma_wait3A_271 = tpu.memref_squeeze %dma_wait3A_270 : memref<1x128x32xf32, #tpu.memory_space<vmem>> -> memref<128x32xf32, #tpu.memory_space<vmem>>
          %dma_wait3A_272 = arith.constant 0 : i32
          %dma_wait3A_273 = tpu.memref_slice %arg10[%cond3A_218, %dma_wait3A_272] : memref<4x128xi32, #tpu.memory_space<vmem>> -> memref<1x128xi32, #tpu.memory_space<vmem>>
          %dma_wait3A_274 = tpu.memref_squeeze %dma_wait3A_273 : memref<1x128xi32, #tpu.memory_space<vmem>> -> memref<128xi32, #tpu.memory_space<vmem>>
          %dma_wait3A_275 = arith.constant 0 : i32
          %dma_wait3A_276 = arith.constant 0 : i32
          %dma_wait3A_277 = tpu.memref_slice %arg13[%dma_wait3A_275, %dma_wait3A_276] : memref<8192x32xf32, #tpu.memory_space<vmem_shared>> -> memref<8192x32xf32, #tpu.memory_space<vmem_shared>>
          tpu.wait_indirect_dma semaphore(%run_scoped3A_257 : memref<!tpu.dma_semaphore, #tpu.memory_space<semaphore_mem>>) src(%dma_wait3A_271 : memref<128x32xf32, #tpu.memory_space<vmem>>) dst(%dma_wait3A_277 : memref<8192x32xf32, #tpu.memory_space<vmem_shared>>)
          tpu.yield
        }) : () -> ()
      } else {
      }
      %lt3A_221 = arith.constant 49 : i32
      %lt3A_222 = arith.cmpi slt, %scan3A_142, %lt3A_221 : i32
      %convert_element_type3A_223 = arith.extui %lt3A_222 : i1 to i32
      %cond3A_224 = arith.constant 0 : i32
      %cond3A_225 = arith.cmpi ne, %convert_element_type3A_223, %cond3A_224 : i32
      scf.if %cond3A_225 {
        %add3A_256 = arith.constant 1 : i32
        %add3A_257 = arith.addi %scan3A_142, %add3A_256 : i32
        %dma_start3A_258 = arith.constant 2 : i32
        %dma_start3A_259 = arith.constant 2 : i32
        %dma_start3A_260 = arith.constant 0 : i32
        %dma_start3A_261 = arith.constant 0 : i32
        %dma_start3A_262 = tpu.memref_slice %arg12[%dma_start3A_259, %dma_start3A_260, %dma_start3A_261] : memref<4x128x32xf32, #tpu.memory_space<vmem>> -> memref<1x128x32xf32, #tpu.memory_space<vmem>>
        %dma_start3A_263 = tpu.memref_squeeze %dma_start3A_262 : memref<1x128x32xf32, #tpu.memory_space<vmem>> -> memref<128x32xf32, #tpu.memory_space<vmem>>
        %dma_start3A_264 = arith.constant 0 : i32
        %dma_start3A_265 = tpu.memref_slice %arg9[%add3A_257, %dma_start3A_258, %dma_start3A_264] : memref<50x4x128xi32, #tpu.memory_space<vmem>> -> memref<1x1x128xi32, #tpu.memory_space<vmem>>
        %dma_start3A_266 = tpu.memref_squeeze %dma_start3A_265 : memref<1x1x128xi32, #tpu.memory_space<vmem>> -> memref<128xi32, #tpu.memory_space<vmem>>
        %dma_start3A_267 = arith.constant 0 : i32
        %dma_start3A_268 = arith.constant 0 : i32
        %dma_start3A_269 = tpu.memref_slice %arg6[%dma_start3A_267, %dma_start3A_268] : memref<114688x32xf32, #tpu.memory_space<hbm>> -> memref<114688x32xf32, #tpu.memory_space<hbm>>
        tpu.enqueue_indirect_dma source(%dma_start3A_269 : memref<114688x32xf32, #tpu.memory_space<hbm>>) target(%dma_start3A_263 : memref<128x32xf32, #tpu.memory_space<vmem>>) offsets(%dma_start3A_266 : memref<128xi32, #tpu.memory_space<vmem>>) semaphore(%arg17 : memref<!tpu.dma_semaphore, #tpu.memory_space<semaphore_mem>>)
      } else {
      }
      %dma_wait3A_226 = arith.constant 3 : i32
      %dma_wait3A_227 = arith.constant 3 : i32
      %dma_wait3A_228 = arith.constant 0 : i32
      %dma_wait3A_229 = arith.constant 0 : i32
      %dma_wait3A_230 = tpu.memref_slice %arg12[%dma_wait3A_227, %dma_wait3A_228, %dma_wait3A_229] : memref<4x128x32xf32, #tpu.memory_space<vmem>> -> memref<1x128x32xf32, #tpu.memory_space<vmem>>
      %dma_wait3A_231 = tpu.memref_squeeze %dma_wait3A_230 : memref<1x128x32xf32, #tpu.memory_space<vmem>> -> memref<128x32xf32, #tpu.memory_space<vmem>>
      %dma_wait3A_232 = arith.constant 0 : i32
      %dma_wait3A_233 = tpu.memref_slice %arg9[%scan3A_142, %dma_wait3A_226, %dma_wait3A_232] : memref<50x4x128xi32, #tpu.memory_space<vmem>> -> memref<1x1x128xi32, #tpu.memory_space<vmem>>
      %dma_wait3A_234 = tpu.memref_squeeze %dma_wait3A_233 : memref<1x1x128xi32, #tpu.memory_space<vmem>> -> memref<128xi32, #tpu.memory_space<vmem>>
      %dma_wait3A_235 = arith.constant 0 : i32
      %dma_wait3A_236 = arith.constant 0 : i32
      %dma_wait3A_237 = tpu.memref_slice %arg6[%dma_wait3A_235, %dma_wait3A_236] : memref<114688x32xf32, #tpu.memory_space<hbm>> -> memref<114688x32xf32, #tpu.memory_space<hbm>>
      tpu.wait_indirect_dma semaphore(%arg18 : memref<!tpu.dma_semaphore, #tpu.memory_space<semaphore_mem>>) src(%dma_wait3A_237 : memref<114688x32xf32, #tpu.memory_space<hbm>>) dst(%dma_wait3A_231 : memref<128x32xf32, #tpu.memory_space<vmem>>)
      %eq3A_238 = arith.constant 0 : i32
      %eq3A_239 = arith.cmpi eq, %scan3A_142, %eq3A_238 : i32
      %convert_element_type3A_240 = arith.extui %eq3A_239 : i1 to i32
      %cond3A_241 = arith.constant 3 : i32
      %cond3A_242 = arith.constant 0 : i32
      %cond3A_243 = arith.cmpi ne, %convert_element_type3A_240, %cond3A_242 : i32
      scf.if %cond3A_243 {
        %run_scoped3A_256 = arith.constant 3 : i32
        "tpu.region"() ({
          %run_scoped3A_257 = tpu.sem_alloc : memref<!tpu.dma_semaphore, #tpu.memory_space<semaphore_mem>>
          %dma_start3A_258 = arith.constant 0 : i32
          %dma_start3A_259 = arith.constant 0 : i32
          %dma_start3A_260 = tpu.memref_slice %arg12[%run_scoped3A_256, %dma_start3A_258, %dma_start3A_259] : memref<4x128x32xf32, #tpu.memory_space<vmem>> -> memref<1x128x32xf32, #tpu.memory_space<vmem>>
          %dma_start3A_261 = tpu.memref_squeeze %dma_start3A_260 : memref<1x128x32xf32, #tpu.memory_space<vmem>> -> memref<128x32xf32, #tpu.memory_space<vmem>>
          %dma_start3A_262 = arith.constant 0 : i32
          %dma_start3A_263 = tpu.memref_slice %arg10[%cond3A_241, %dma_start3A_262] : memref<4x128xi32, #tpu.memory_space<vmem>> -> memref<1x128xi32, #tpu.memory_space<vmem>>
          %dma_start3A_264 = tpu.memref_squeeze %dma_start3A_263 : memref<1x128xi32, #tpu.memory_space<vmem>> -> memref<128xi32, #tpu.memory_space<vmem>>
          %dma_start3A_265 = arith.constant 0 : i32
          %dma_start3A_266 = arith.constant 0 : i32
          %dma_start3A_267 = tpu.memref_slice %arg13[%dma_start3A_265, %dma_start3A_266] : memref<8192x32xf32, #tpu.memory_space<vmem_shared>> -> memref<8192x32xf32, #tpu.memory_space<vmem_shared>>
          tpu.enqueue_indirect_dma source(%dma_start3A_261 : memref<128x32xf32, #tpu.memory_space<vmem>>) target(%dma_start3A_267 : memref<8192x32xf32, #tpu.memory_space<vmem_shared>>) offsets(%dma_start3A_264 : memref<128xi32, #tpu.memory_space<vmem>>) semaphore(%run_scoped3A_257 : memref<!tpu.dma_semaphore, #tpu.memory_space<semaphore_mem>>)
          %dma_wait3A_268 = arith.constant 0 : i32
          %dma_wait3A_269 = arith.constant 0 : i32
          %dma_wait3A_270 = tpu.memref_slice %arg12[%run_scoped3A_256, %dma_wait3A_268, %dma_wait3A_269] : memref<4x128x32xf32, #tpu.memory_space<vmem>> -> memref<1x128x32xf32, #tpu.memory_space<vmem>>
          %dma_wait3A_271 = tpu.memref_squeeze %dma_wait3A_270 : memref<1x128x32xf32, #tpu.memory_space<vmem>> -> memref<128x32xf32, #tpu.memory_space<vmem>>
          %dma_wait3A_272 = arith.constant 0 : i32
          %dma_wait3A_273 = tpu.memref_slice %arg10[%cond3A_241, %dma_wait3A_272] : memref<4x128xi32, #tpu.memory_space<vmem>> -> memref<1x128xi32, #tpu.memory_space<vmem>>
          %dma_wait3A_274 = tpu.memref_squeeze %dma_wait3A_273 : memref<1x128xi32, #tpu.memory_space<vmem>> -> memref<128xi32, #tpu.memory_space<vmem>>
          %dma_wait3A_275 = arith.constant 0 : i32
          %dma_wait3A_276 = arith.constant 0 : i32
          %dma_wait3A_277 = tpu.memref_slice %arg13[%dma_wait3A_275, %dma_wait3A_276] : memref<8192x32xf32, #tpu.memory_space<vmem_shared>> -> memref<8192x32xf32, #tpu.memory_space<vmem_shared>>
          tpu.wait_indirect_dma semaphore(%run_scoped3A_257 : memref<!tpu.dma_semaphore, #tpu.memory_space<semaphore_mem>>) src(%dma_wait3A_271 : memref<128x32xf32, #tpu.memory_space<vmem>>) dst(%dma_wait3A_277 : memref<8192x32xf32, #tpu.memory_space<vmem_shared>>)
          tpu.yield
        }) : () -> ()
      } else {
      }
      %gt3A_244 = arith.constant 0 : i32
      %gt3A_245 = arith.cmpi sgt, %scan3A_142, %gt3A_244 : i32
      %convert_element_type3A_246 = arith.extui %gt3A_245 : i1 to i32
      %cond3A_247 = arith.constant 3 : i32
      %cond3A_248 = arith.constant 0 : i32
      %cond3A_249 = arith.cmpi ne, %convert_element_type3A_246, %cond3A_248 : i32
      scf.if %cond3A_249 {
        %run_scoped3A_256 = arith.constant 3 : i32
        "tpu.region"() ({
          %run_scoped3A_257 = tpu.sem_alloc : memref<!tpu.dma_semaphore, #tpu.memory_space<semaphore_mem>>
          %dma_start3A_258 = arith.constant 0 : i32
          %dma_start3A_259 = arith.constant 0 : i32
          %dma_start3A_260 = tpu.memref_slice %arg12[%run_scoped3A_256, %dma_start3A_258, %dma_start3A_259] : memref<4x128x32xf32, #tpu.memory_space<vmem>> -> memref<1x128x32xf32, #tpu.memory_space<vmem>>
          %dma_start3A_261 = tpu.memref_squeeze %dma_start3A_260 : memref<1x128x32xf32, #tpu.memory_space<vmem>> -> memref<128x32xf32, #tpu.memory_space<vmem>>
          %dma_start3A_262 = arith.constant 0 : i32
          %dma_start3A_263 = tpu.memref_slice %arg10[%cond3A_247, %dma_start3A_262] : memref<4x128xi32, #tpu.memory_space<vmem>> -> memref<1x128xi32, #tpu.memory_space<vmem>>
          %dma_start3A_264 = tpu.memref_squeeze %dma_start3A_263 : memref<1x128xi32, #tpu.memory_space<vmem>> -> memref<128xi32, #tpu.memory_space<vmem>>
          %dma_start3A_265 = arith.constant 0 : i32
          %dma_start3A_266 = arith.constant 0 : i32
          %dma_start3A_267 = tpu.memref_slice %arg13[%dma_start3A_265, %dma_start3A_266] : memref<8192x32xf32, #tpu.memory_space<vmem_shared>> -> memref<8192x32xf32, #tpu.memory_space<vmem_shared>>
          tpu.enqueue_indirect_dma source(%dma_start3A_261 : memref<128x32xf32, #tpu.memory_space<vmem>>) target(%dma_start3A_267 : memref<8192x32xf32, #tpu.memory_space<vmem_shared>>) offsets(%dma_start3A_264 : memref<128xi32, #tpu.memory_space<vmem>>) semaphore(%run_scoped3A_257 : memref<!tpu.dma_semaphore, #tpu.memory_space<semaphore_mem>>) {add = true}
          %dma_wait3A_268 = arith.constant 0 : i32
          %dma_wait3A_269 = arith.constant 0 : i32
          %dma_wait3A_270 = tpu.memref_slice %arg12[%run_scoped3A_256, %dma_wait3A_268, %dma_wait3A_269] : memref<4x128x32xf32, #tpu.memory_space<vmem>> -> memref<1x128x32xf32, #tpu.memory_space<vmem>>
          %dma_wait3A_271 = tpu.memref_squeeze %dma_wait3A_270 : memref<1x128x32xf32, #tpu.memory_space<vmem>> -> memref<128x32xf32, #tpu.memory_space<vmem>>
          %dma_wait3A_272 = arith.constant 0 : i32
          %dma_wait3A_273 = tpu.memref_slice %arg10[%cond3A_247, %dma_wait3A_272] : memref<4x128xi32, #tpu.memory_space<vmem>> -> memref<1x128xi32, #tpu.memory_space<vmem>>
          %dma_wait3A_274 = tpu.memref_squeeze %dma_wait3A_273 : memref<1x128xi32, #tpu.memory_space<vmem>> -> memref<128xi32, #tpu.memory_space<vmem>>
          %dma_wait3A_275 = arith.constant 0 : i32
          %dma_wait3A_276 = arith.constant 0 : i32
          %dma_wait3A_277 = tpu.memref_slice %arg13[%dma_wait3A_275, %dma_wait3A_276] : memref<8192x32xf32, #tpu.memory_space<vmem_shared>> -> memref<8192x32xf32, #tpu.memory_space<vmem_shared>>
          tpu.wait_indirect_dma semaphore(%run_scoped3A_257 : memref<!tpu.dma_semaphore, #tpu.memory_space<semaphore_mem>>) src(%dma_wait3A_271 : memref<128x32xf32, #tpu.memory_space<vmem>>) dst(%dma_wait3A_277 : memref<8192x32xf32, #tpu.memory_space<vmem_shared>>)
          tpu.yield
        }) : () -> ()
      } else {
      }
      %lt3A_250 = arith.constant 49 : i32
      %lt3A_251 = arith.cmpi slt, %scan3A_142, %lt3A_250 : i32
      %convert_element_type3A_252 = arith.extui %lt3A_251 : i1 to i32
      %cond3A_253 = arith.constant 0 : i32
      %cond3A_254 = arith.cmpi ne, %convert_element_type3A_252, %cond3A_253 : i32
      scf.if %cond3A_254 {
        %add3A_256 = arith.constant 1 : i32
        %add3A_257 = arith.addi %scan3A_142, %add3A_256 : i32
        %dma_start3A_258 = arith.constant 3 : i32
        %dma_start3A_259 = arith.constant 3 : i32
        %dma_start3A_260 = arith.constant 0 : i32
        %dma_start3A_261 = arith.constant 0 : i32
        %dma_start3A_262 = tpu.memref_slice %arg12[%dma_start3A_259, %dma_start3A_260, %dma_start3A_261] : memref<4x128x32xf32, #tpu.memory_space<vmem>> -> memref<1x128x32xf32, #tpu.memory_space<vmem>>
        %dma_start3A_263 = tpu.memref_squeeze %dma_start3A_262 : memref<1x128x32xf32, #tpu.memory_space<vmem>> -> memref<128x32xf32, #tpu.memory_space<vmem>>
        %dma_start3A_264 = arith.constant 0 : i32
        %dma_start3A_265 = tpu.memref_slice %arg9[%add3A_257, %dma_start3A_258, %dma_start3A_264] : memref<50x4x128xi32, #tpu.memory_space<vmem>> -> memref<1x1x128xi32, #tpu.memory_space<vmem>>
        %dma_start3A_266 = tpu.memref_squeeze %dma_start3A_265 : memref<1x1x128xi32, #tpu.memory_space<vmem>> -> memref<128xi32, #tpu.memory_space<vmem>>
        %dma_start3A_267 = arith.constant 0 : i32
        %dma_start3A_268 = arith.constant 0 : i32
        %dma_start3A_269 = tpu.memref_slice %arg6[%dma_start3A_267, %dma_start3A_268] : memref<114688x32xf32, #tpu.memory_space<hbm>> -> memref<114688x32xf32, #tpu.memory_space<hbm>>
        tpu.enqueue_indirect_dma source(%dma_start3A_269 : memref<114688x32xf32, #tpu.memory_space<hbm>>) target(%dma_start3A_263 : memref<128x32xf32, #tpu.memory_space<vmem>>) offsets(%dma_start3A_266 : memref<128xi32, #tpu.memory_space<vmem>>) semaphore(%arg18 : memref<!tpu.dma_semaphore, #tpu.memory_space<semaphore_mem>>)
      } else {
      }
      %scan3A_255 = arith.constant 0 : i32
      scf.yield %scan3A_255 : i32
    }
    %scan3A_99 = arith.constant 50 : i32
    %dma_wait3A = arith.constant 0 : i32
    %dma_wait3A_100 = arith.constant 0 : i32
    %dma_wait3A_101 = arith.constant 0 : i32
    %dma_wait3A_102 = tpu.memref_slice %arg11[%dma_wait3A_100, %dma_wait3A_101] : memref<512x32xf32, #tpu.memory_space<vmem>> -> memref<128x32xf32, #tpu.memory_space<vmem>>
    %dma_wait3A_103 = arith.constant 0 : i32
    %dma_wait3A_104 = tpu.memref_slice %arg8[%dma_wait3A, %dma_wait3A_103] : memref<4x128xi32, #tpu.memory_space<vmem>> -> memref<1x128xi32, #tpu.memory_space<vmem>>
    %dma_wait3A_105 = tpu.memref_squeeze %dma_wait3A_104 : memref<1x128xi32, #tpu.memory_space<vmem>> -> memref<128xi32, #tpu.memory_space<vmem>>
    %dma_wait3A_106 = arith.constant 0 : i32
    %dma_wait3A_107 = arith.constant 0 : i32
    %dma_wait3A_108 = tpu.memref_slice %arg5[%dma_wait3A_106, %dma_wait3A_107] : memref<1000x32xf32, #tpu.memory_space<hbm>> -> memref<1000x32xf32, #tpu.memory_space<hbm>>
    tpu.wait_indirect_dma semaphore(%arg14 : memref<!tpu.dma_semaphore, #tpu.memory_space<semaphore_mem>>) src(%dma_wait3A_108 : memref<1000x32xf32, #tpu.memory_space<hbm>>) dst(%dma_wait3A_102 : memref<128x32xf32, #tpu.memory_space<vmem>>)
    %dma_wait3A_109 = arith.constant 1 : i32
    %dma_wait3A_110 = arith.constant 128 : i32
    %dma_wait3A_111 = arith.constant 0 : i32
    %dma_wait3A_112 = tpu.memref_slice %arg11[%dma_wait3A_110, %dma_wait3A_111] : memref<512x32xf32, #tpu.memory_space<vmem>> -> memref<128x32xf32, #tpu.memory_space<vmem>>
    %dma_wait3A_113 = arith.constant 0 : i32
    %dma_wait3A_114 = tpu.memref_slice %arg8[%dma_wait3A_109, %dma_wait3A_113] : memref<4x128xi32, #tpu.memory_space<vmem>> -> memref<1x128xi32, #tpu.memory_space<vmem>>
    %dma_wait3A_115 = tpu.memref_squeeze %dma_wait3A_114 : memref<1x128xi32, #tpu.memory_space<vmem>> -> memref<128xi32, #tpu.memory_space<vmem>>
    %dma_wait3A_116 = arith.constant 0 : i32
    %dma_wait3A_117 = arith.constant 0 : i32
    %dma_wait3A_118 = tpu.memref_slice %arg5[%dma_wait3A_116, %dma_wait3A_117] : memref<1000x32xf32, #tpu.memory_space<hbm>> -> memref<1000x32xf32, #tpu.memory_space<hbm>>
    tpu.wait_indirect_dma semaphore(%arg14 : memref<!tpu.dma_semaphore, #tpu.memory_space<semaphore_mem>>) src(%dma_wait3A_118 : memref<1000x32xf32, #tpu.memory_space<hbm>>) dst(%dma_wait3A_112 : memref<128x32xf32, #tpu.memory_space<vmem>>)
    %dma_wait3A_119 = arith.constant 2 : i32
    %dma_wait3A_120 = arith.constant 256 : i32
    %dma_wait3A_121 = arith.constant 0 : i32
    %dma_wait3A_122 = tpu.memref_slice %arg11[%dma_wait3A_120, %dma_wait3A_121] : memref<512x32xf32, #tpu.memory_space<vmem>> -> memref<128x32xf32, #tpu.memory_space<vmem>>
    %dma_wait3A_123 = arith.constant 0 : i32
    %dma_wait3A_124 = tpu.memref_slice %arg8[%dma_wait3A_119, %dma_wait3A_123] : memref<4x128xi32, #tpu.memory_space<vmem>> -> memref<1x128xi32, #tpu.memory_space<vmem>>
    %dma_wait3A_125 = tpu.memref_squeeze %dma_wait3A_124 : memref<1x128xi32, #tpu.memory_space<vmem>> -> memref<128xi32, #tpu.memory_space<vmem>>
    %dma_wait3A_126 = arith.constant 0 : i32
    %dma_wait3A_127 = arith.constant 0 : i32
    %dma_wait3A_128 = tpu.memref_slice %arg5[%dma_wait3A_126, %dma_wait3A_127] : memref<1000x32xf32, #tpu.memory_space<hbm>> -> memref<1000x32xf32, #tpu.memory_space<hbm>>
    tpu.wait_indirect_dma semaphore(%arg14 : memref<!tpu.dma_semaphore, #tpu.memory_space<semaphore_mem>>) src(%dma_wait3A_128 : memref<1000x32xf32, #tpu.memory_space<hbm>>) dst(%dma_wait3A_122 : memref<128x32xf32, #tpu.memory_space<vmem>>)
    %dma_wait3A_129 = arith.constant 3 : i32
    %dma_wait3A_130 = arith.constant 384 : i32
    %dma_wait3A_131 = arith.constant 0 : i32
    %dma_wait3A_132 = tpu.memref_slice %arg11[%dma_wait3A_130, %dma_wait3A_131] : memref<512x32xf32, #tpu.memory_space<vmem>> -> memref<128x32xf32, #tpu.memory_space<vmem>>
    %dma_wait3A_133 = arith.constant 0 : i32
    %dma_wait3A_134 = tpu.memref_slice %arg8[%dma_wait3A_129, %dma_wait3A_133] : memref<4x128xi32, #tpu.memory_space<vmem>> -> memref<1x128xi32, #tpu.memory_space<vmem>>
    %dma_wait3A_135 = tpu.memref_squeeze %dma_wait3A_134 : memref<1x128xi32, #tpu.memory_space<vmem>> -> memref<128xi32, #tpu.memory_space<vmem>>
    %dma_wait3A_136 = arith.constant 0 : i32
    %dma_wait3A_137 = arith.constant 0 : i32
    %dma_wait3A_138 = tpu.memref_slice %arg5[%dma_wait3A_136, %dma_wait3A_137] : memref<1000x32xf32, #tpu.memory_space<hbm>> -> memref<1000x32xf32, #tpu.memory_space<hbm>>
    tpu.wait_indirect_dma semaphore(%arg14 : memref<!tpu.dma_semaphore, #tpu.memory_space<semaphore_mem>>) src(%dma_wait3A_138 : memref<1000x32xf32, #tpu.memory_space<hbm>>) dst(%dma_wait3A_132 : memref<128x32xf32, #tpu.memory_space<vmem>>)
    %run_scoped3A = arith.constant 0 : i32
    "tpu.region"() ({
      %run_scoped3A_142 = tpu.sem_alloc : memref<!tpu.dma_semaphore, #tpu.memory_space<semaphore_mem>>
      %dma_start3A_143 = arith.constant 0 : i32
      %dma_start3A_144 = tpu.memref_slice %arg7[%run_scoped3A, %mul3A_2, %dma_start3A_143] : memref<2x16384x32xf32, #tpu.memory_space<hbm>> -> memref<1x512x32xf32, #tpu.memory_space<hbm>>
      %dma_start3A_145 = tpu.memref_squeeze %dma_start3A_144 : memref<1x512x32xf32, #tpu.memory_space<hbm>> -> memref<512x32xf32, #tpu.memory_space<hbm>>
      %dma_start3A_146 = arith.constant 0 : i32
      %dma_start3A_147 = tpu.memref_slice %arg7[%run_scoped3A, %mul3A_2, %dma_start3A_146] : memref<2x16384x32xf32, #tpu.memory_space<hbm>> -> memref<1x512x32xf32, #tpu.memory_space<hbm>>
      %dma_start3A_148 = tpu.memref_squeeze %dma_start3A_147 : memref<1x512x32xf32, #tpu.memory_space<hbm>> -> memref<512x32xf32, #tpu.memory_space<hbm>>
      tpu.enqueue_dma source(%arg11 : memref<512x32xf32, #tpu.memory_space<vmem>>) target(%dma_start3A_148 : memref<512x32xf32, #tpu.memory_space<hbm>>) target_semaphore(%run_scoped3A_142 : memref<!tpu.dma_semaphore, #tpu.memory_space<semaphore_mem>>)
      %dma_wait3A_149 = arith.constant 0 : i32
      %dma_wait3A_150 = tpu.memref_slice %arg7[%run_scoped3A, %mul3A_2, %dma_wait3A_149] : memref<2x16384x32xf32, #tpu.memory_space<hbm>> -> memref<1x512x32xf32, #tpu.memory_space<hbm>>
      %dma_wait3A_151 = tpu.memref_squeeze %dma_wait3A_150 : memref<1x512x32xf32, #tpu.memory_space<hbm>> -> memref<512x32xf32, #tpu.memory_space<hbm>>
      %dma_wait3A_152 = arith.constant 0 : i32
      %dma_wait3A_153 = tpu.memref_slice %arg7[%run_scoped3A, %mul3A_2, %dma_wait3A_152] : memref<2x16384x32xf32, #tpu.memory_space<hbm>> -> memref<1x512x32xf32, #tpu.memory_space<hbm>>
      %dma_wait3A_154 = tpu.memref_squeeze %dma_wait3A_153 : memref<1x512x32xf32, #tpu.memory_space<hbm>> -> memref<512x32xf32, #tpu.memory_space<hbm>>
      tpu.wait_dma2 semaphore(%run_scoped3A_142 : memref<!tpu.dma_semaphore, #tpu.memory_space<semaphore_mem>>) src(%arg11 : memref<512x32xf32, #tpu.memory_space<vmem>>) dst(%dma_wait3A_154 : memref<512x32xf32, #tpu.memory_space<hbm>>)
      tpu.yield
    }) : () -> ()
    %mul3A_139 = arith.constant 512 : i32
    %mul3A_140 = arith.muli %arg1, %mul3A_139 : i32
    %run_scoped3A_141 = arith.constant 1 : i32
    "tpu.region"() ({
      %run_scoped3A_142 = tpu.sem_alloc : memref<!tpu.dma_semaphore, #tpu.memory_space<semaphore_mem>>
      %dma_start3A_143 = arith.constant 0 : i32
      %dma_start3A_144 = tpu.memref_slice %arg7[%run_scoped3A_141, %mul3A_2, %dma_start3A_143] : memref<2x16384x32xf32, #tpu.memory_space<hbm>> -> memref<1x512x32xf32, #tpu.memory_space<hbm>>
      %dma_start3A_145 = tpu.memref_squeeze %dma_start3A_144 : memref<1x512x32xf32, #tpu.memory_space<hbm>> -> memref<512x32xf32, #tpu.memory_space<hbm>>
      %dma_start3A_146 = arith.constant 0 : i32
      %dma_start3A_147 = tpu.memref_slice %arg13[%mul3A_140, %dma_start3A_146] : memref<8192x32xf32, #tpu.memory_space<vmem_shared>> -> memref<512x32xf32, #tpu.memory_space<vmem_shared>>
      tpu.enqueue_dma source(%dma_start3A_147 : memref<512x32xf32, #tpu.memory_space<vmem_shared>>) target(%dma_start3A_145 : memref<512x32xf32, #tpu.memory_space<hbm>>) target_semaphore(%run_scoped3A_142 : memref<!tpu.dma_semaphore, #tpu.memory_space<semaphore_mem>>)
      %dma_wait3A_148 = arith.constant 0 : i32
      %dma_wait3A_149 = tpu.memref_slice %arg7[%run_scoped3A_141, %mul3A_2, %dma_wait3A_148] : memref<2x16384x32xf32, #tpu.memory_space<hbm>> -> memref<1x512x32xf32, #tpu.memory_space<hbm>>
      %dma_wait3A_150 = tpu.memref_squeeze %dma_wait3A_149 : memref<1x512x32xf32, #tpu.memory_space<hbm>> -> memref<512x32xf32, #tpu.memory_space<hbm>>
      %dma_wait3A_151 = arith.constant 0 : i32
      %dma_wait3A_152 = tpu.memref_slice %arg13[%mul3A_140, %dma_wait3A_151] : memref<8192x32xf32, #tpu.memory_space<vmem_shared>> -> memref<512x32xf32, #tpu.memory_space<vmem_shared>>
      tpu.wait_dma2 semaphore(%run_scoped3A_142 : memref<!tpu.dma_semaphore, #tpu.memory_space<semaphore_mem>>) src(%dma_wait3A_152 : memref<512x32xf32, #tpu.memory_space<vmem_shared>>) dst(%dma_wait3A_150 : memref<512x32xf32, #tpu.memory_space<hbm>>)
      tpu.yield
    }) : () -> ()
    return
  }
}

#map = affine_map<(d0, d1) -> (0, 0, 0)>
#map1 = affine_map<(d0, d1) -> (0, 0)>
module attributes {stable_mosaic.version = 14 : i64} {
  func.func @k(%arg0: i32, %arg1: i32, %arg2: memref<32x4x128xi32, #tpu.memory_space<hbm>>, %arg3: memref<1015808x32xf32, #tpu.memory_space<hbm>>, %arg4: memref<16384x32xf32, #tpu.memory_space<hbm>>, %arg5: memref<4x128xi32, #tpu.memory_space<vmem>>, %arg6: memref<512x32xf32, #tpu.memory_space<vmem>>, %arg7: memref<!tpu.dma_semaphore, #tpu.memory_space<semaphore_mem>>) attributes {dimension_semantics = [#tpu.dimension_semantics<core_parallel>, #tpu.dimension_semantics<subcore_parallel>], iteration_bounds = array<i64: 2, 16>, scalar_prefetch = 0 : i64, scratch_operands = 3 : i64, tpu.core_type = #tpu.core_type<sc_vector_subcore>, window_params = [{transform_indices = #map}, {transform_indices = #map1}, {transform_indices = #map1}]} {
    %mul3A = arith.constant 2 : i32
    %mul3A_0 = arith.muli %arg1, %mul3A : i32
    %add3A = arith.addi %mul3A_0, %arg0 : i32
    %mul3A_1 = arith.constant 512 : i32
    %mul3A_2 = arith.muli %add3A, %mul3A_1 : i32
    "tpu.region"() ({
      %run_scoped3A = tpu.sem_alloc : memref<!tpu.dma_semaphore, #tpu.memory_space<semaphore_mem>>
      %dma_start3A_81 = arith.constant 0 : i32
      %dma_start3A_82 = arith.constant 0 : i32
      %dma_start3A_83 = tpu.memref_slice %arg2[%add3A, %dma_start3A_81, %dma_start3A_82] : memref<32x4x128xi32, #tpu.memory_space<hbm>> -> memref<1x4x128xi32, #tpu.memory_space<hbm>>
      %dma_start3A_84 = tpu.memref_squeeze %dma_start3A_83 : memref<1x4x128xi32, #tpu.memory_space<hbm>> -> memref<4x128xi32, #tpu.memory_space<hbm>>
      %dma_start3A_85 = arith.constant 0 : i32
      %dma_start3A_86 = arith.constant 0 : i32
      %dma_start3A_87 = tpu.memref_slice %arg2[%add3A, %dma_start3A_85, %dma_start3A_86] : memref<32x4x128xi32, #tpu.memory_space<hbm>> -> memref<1x4x128xi32, #tpu.memory_space<hbm>>
      %dma_start3A_88 = tpu.memref_squeeze %dma_start3A_87 : memref<1x4x128xi32, #tpu.memory_space<hbm>> -> memref<4x128xi32, #tpu.memory_space<hbm>>
      tpu.enqueue_dma source(%dma_start3A_88 : memref<4x128xi32, #tpu.memory_space<hbm>>) target(%arg5 : memref<4x128xi32, #tpu.memory_space<vmem>>) target_semaphore(%run_scoped3A : memref<!tpu.dma_semaphore, #tpu.memory_space<semaphore_mem>>)
      %dma_wait3A_89 = arith.constant 0 : i32
      %dma_wait3A_90 = arith.constant 0 : i32
      %dma_wait3A_91 = tpu.memref_slice %arg2[%add3A, %dma_wait3A_89, %dma_wait3A_90] : memref<32x4x128xi32, #tpu.memory_space<hbm>> -> memref<1x4x128xi32, #tpu.memory_space<hbm>>
      %dma_wait3A_92 = tpu.memref_squeeze %dma_wait3A_91 : memref<1x4x128xi32, #tpu.memory_space<hbm>> -> memref<4x128xi32, #tpu.memory_space<hbm>>
      %dma_wait3A_93 = arith.constant 0 : i32
      %dma_wait3A_94 = arith.constant 0 : i32
      %dma_wait3A_95 = tpu.memref_slice %arg2[%add3A, %dma_wait3A_93, %dma_wait3A_94] : memref<32x4x128xi32, #tpu.memory_space<hbm>> -> memref<1x4x128xi32, #tpu.memory_space<hbm>>
      %dma_wait3A_96 = tpu.memref_squeeze %dma_wait3A_95 : memref<1x4x128xi32, #tpu.memory_space<hbm>> -> memref<4x128xi32, #tpu.memory_space<hbm>>
      tpu.wait_dma2 semaphore(%run_scoped3A : memref<!tpu.dma_semaphore, #tpu.memory_space<semaphore_mem>>) src(%dma_wait3A_96 : memref<4x128xi32, #tpu.memory_space<hbm>>) dst(%arg5 : memref<4x128xi32, #tpu.memory_space<vmem>>)
      tpu.yield
    }) : () -> ()
    %dma_start3A = arith.constant 0 : i32
    %dma_start3A_3 = arith.constant 0 : i32
    %dma_start3A_4 = arith.constant 0 : i32
    %dma_start3A_5 = tpu.memref_slice %arg6[%dma_start3A_3, %dma_start3A_4] : memref<512x32xf32, #tpu.memory_space<vmem>> -> memref<128x32xf32, #tpu.memory_space<vmem>>
    %dma_start3A_6 = arith.constant 0 : i32
    %dma_start3A_7 = tpu.memref_slice %arg5[%dma_start3A, %dma_start3A_6] : memref<4x128xi32, #tpu.memory_space<vmem>> -> memref<1x128xi32, #tpu.memory_space<vmem>>
    %dma_start3A_8 = tpu.memref_squeeze %dma_start3A_7 : memref<1x128xi32, #tpu.memory_space<vmem>> -> memref<128xi32, #tpu.memory_space<vmem>>
    %dma_start3A_9 = arith.constant 0 : i32
    %dma_start3A_10 = arith.constant 0 : i32
    %dma_start3A_11 = tpu.memref_slice %arg3[%dma_start3A_9, %dma_start3A_10] : memref<1015808x32xf32, #tpu.memory_space<hbm>> -> memref<1015808x32xf32, #tpu.memory_space<hbm>>
    tpu.enqueue_indirect_dma source(%dma_start3A_11 : memref<1015808x32xf32, #tpu.memory_space<hbm>>) target(%dma_start3A_5 : memref<128x32xf32, #tpu.memory_space<vmem>>) offsets(%dma_start3A_8 : memref<128xi32, #tpu.memory_space<vmem>>) semaphore(%arg7 : memref<!tpu.dma_semaphore, #tpu.memory_space<semaphore_mem>>)
    %dma_start3A_12 = arith.constant 1 : i32
    %dma_start3A_13 = arith.constant 128 : i32
    %dma_start3A_14 = arith.constant 0 : i32
    %dma_start3A_15 = tpu.memref_slice %arg6[%dma_start3A_13, %dma_start3A_14] : memref<512x32xf32, #tpu.memory_space<vmem>> -> memref<128x32xf32, #tpu.memory_space<vmem>>
    %dma_start3A_16 = arith.constant 0 : i32
    %dma_start3A_17 = tpu.memref_slice %arg5[%dma_start3A_12, %dma_start3A_16] : memref<4x128xi32, #tpu.memory_space<vmem>> -> memref<1x128xi32, #tpu.memory_space<vmem>>
    %dma_start3A_18 = tpu.memref_squeeze %dma_start3A_17 : memref<1x128xi32, #tpu.memory_space<vmem>> -> memref<128xi32, #tpu.memory_space<vmem>>
    %dma_start3A_19 = arith.constant 0 : i32
    %dma_start3A_20 = arith.constant 0 : i32
    %dma_start3A_21 = tpu.memref_slice %arg3[%dma_start3A_19, %dma_start3A_20] : memref<1015808x32xf32, #tpu.memory_space<hbm>> -> memref<1015808x32xf32, #tpu.memory_space<hbm>>
    tpu.enqueue_indirect_dma source(%dma_start3A_21 : memref<1015808x32xf32, #tpu.memory_space<hbm>>) target(%dma_start3A_15 : memref<128x32xf32, #tpu.memory_space<vmem>>) offsets(%dma_start3A_18 : memref<128xi32, #tpu.memory_space<vmem>>) semaphore(%arg7 : memref<!tpu.dma_semaphore, #tpu.memory_space<semaphore_mem>>)
    %dma_start3A_22 = arith.constant 2 : i32
    %dma_start3A_23 = arith.constant 256 : i32
    %dma_start3A_24 = arith.constant 0 : i32
    %dma_start3A_25 = tpu.memref_slice %arg6[%dma_start3A_23, %dma_start3A_24] : memref<512x32xf32, #tpu.memory_space<vmem>> -> memref<128x32xf32, #tpu.memory_space<vmem>>
    %dma_start3A_26 = arith.constant 0 : i32
    %dma_start3A_27 = tpu.memref_slice %arg5[%dma_start3A_22, %dma_start3A_26] : memref<4x128xi32, #tpu.memory_space<vmem>> -> memref<1x128xi32, #tpu.memory_space<vmem>>
    %dma_start3A_28 = tpu.memref_squeeze %dma_start3A_27 : memref<1x128xi32, #tpu.memory_space<vmem>> -> memref<128xi32, #tpu.memory_space<vmem>>
    %dma_start3A_29 = arith.constant 0 : i32
    %dma_start3A_30 = arith.constant 0 : i32
    %dma_start3A_31 = tpu.memref_slice %arg3[%dma_start3A_29, %dma_start3A_30] : memref<1015808x32xf32, #tpu.memory_space<hbm>> -> memref<1015808x32xf32, #tpu.memory_space<hbm>>
    tpu.enqueue_indirect_dma source(%dma_start3A_31 : memref<1015808x32xf32, #tpu.memory_space<hbm>>) target(%dma_start3A_25 : memref<128x32xf32, #tpu.memory_space<vmem>>) offsets(%dma_start3A_28 : memref<128xi32, #tpu.memory_space<vmem>>) semaphore(%arg7 : memref<!tpu.dma_semaphore, #tpu.memory_space<semaphore_mem>>)
    %dma_start3A_32 = arith.constant 3 : i32
    %dma_start3A_33 = arith.constant 384 : i32
    %dma_start3A_34 = arith.constant 0 : i32
    %dma_start3A_35 = tpu.memref_slice %arg6[%dma_start3A_33, %dma_start3A_34] : memref<512x32xf32, #tpu.memory_space<vmem>> -> memref<128x32xf32, #tpu.memory_space<vmem>>
    %dma_start3A_36 = arith.constant 0 : i32
    %dma_start3A_37 = tpu.memref_slice %arg5[%dma_start3A_32, %dma_start3A_36] : memref<4x128xi32, #tpu.memory_space<vmem>> -> memref<1x128xi32, #tpu.memory_space<vmem>>
    %dma_start3A_38 = tpu.memref_squeeze %dma_start3A_37 : memref<1x128xi32, #tpu.memory_space<vmem>> -> memref<128xi32, #tpu.memory_space<vmem>>
    %dma_start3A_39 = arith.constant 0 : i32
    %dma_start3A_40 = arith.constant 0 : i32
    %dma_start3A_41 = tpu.memref_slice %arg3[%dma_start3A_39, %dma_start3A_40] : memref<1015808x32xf32, #tpu.memory_space<hbm>> -> memref<1015808x32xf32, #tpu.memory_space<hbm>>
    tpu.enqueue_indirect_dma source(%dma_start3A_41 : memref<1015808x32xf32, #tpu.memory_space<hbm>>) target(%dma_start3A_35 : memref<128x32xf32, #tpu.memory_space<vmem>>) offsets(%dma_start3A_38 : memref<128xi32, #tpu.memory_space<vmem>>) semaphore(%arg7 : memref<!tpu.dma_semaphore, #tpu.memory_space<semaphore_mem>>)
    %dma_wait3A = arith.constant 0 : i32
    %dma_wait3A_42 = arith.constant 0 : i32
    %dma_wait3A_43 = arith.constant 0 : i32
    %dma_wait3A_44 = tpu.memref_slice %arg6[%dma_wait3A_42, %dma_wait3A_43] : memref<512x32xf32, #tpu.memory_space<vmem>> -> memref<128x32xf32, #tpu.memory_space<vmem>>
    %dma_wait3A_45 = arith.constant 0 : i32
    %dma_wait3A_46 = tpu.memref_slice %arg5[%dma_wait3A, %dma_wait3A_45] : memref<4x128xi32, #tpu.memory_space<vmem>> -> memref<1x128xi32, #tpu.memory_space<vmem>>
    %dma_wait3A_47 = tpu.memref_squeeze %dma_wait3A_46 : memref<1x128xi32, #tpu.memory_space<vmem>> -> memref<128xi32, #tpu.memory_space<vmem>>
    %dma_wait3A_48 = arith.constant 0 : i32
    %dma_wait3A_49 = arith.constant 0 : i32
    %dma_wait3A_50 = tpu.memref_slice %arg3[%dma_wait3A_48, %dma_wait3A_49] : memref<1015808x32xf32, #tpu.memory_space<hbm>> -> memref<1015808x32xf32, #tpu.memory_space<hbm>>
    tpu.wait_indirect_dma semaphore(%arg7 : memref<!tpu.dma_semaphore, #tpu.memory_space<semaphore_mem>>) src(%dma_wait3A_50 : memref<1015808x32xf32, #tpu.memory_space<hbm>>) dst(%dma_wait3A_44 : memref<128x32xf32, #tpu.memory_space<vmem>>)
    %dma_wait3A_51 = arith.constant 1 : i32
    %dma_wait3A_52 = arith.constant 128 : i32
    %dma_wait3A_53 = arith.constant 0 : i32
    %dma_wait3A_54 = tpu.memref_slice %arg6[%dma_wait3A_52, %dma_wait3A_53] : memref<512x32xf32, #tpu.memory_space<vmem>> -> memref<128x32xf32, #tpu.memory_space<vmem>>
    %dma_wait3A_55 = arith.constant 0 : i32
    %dma_wait3A_56 = tpu.memref_slice %arg5[%dma_wait3A_51, %dma_wait3A_55] : memref<4x128xi32, #tpu.memory_space<vmem>> -> memref<1x128xi32, #tpu.memory_space<vmem>>
    %dma_wait3A_57 = tpu.memref_squeeze %dma_wait3A_56 : memref<1x128xi32, #tpu.memory_space<vmem>> -> memref<128xi32, #tpu.memory_space<vmem>>
    %dma_wait3A_58 = arith.constant 0 : i32
    %dma_wait3A_59 = arith.constant 0 : i32
    %dma_wait3A_60 = tpu.memref_slice %arg3[%dma_wait3A_58, %dma_wait3A_59] : memref<1015808x32xf32, #tpu.memory_space<hbm>> -> memref<1015808x32xf32, #tpu.memory_space<hbm>>
    tpu.wait_indirect_dma semaphore(%arg7 : memref<!tpu.dma_semaphore, #tpu.memory_space<semaphore_mem>>) src(%dma_wait3A_60 : memref<1015808x32xf32, #tpu.memory_space<hbm>>) dst(%dma_wait3A_54 : memref<128x32xf32, #tpu.memory_space<vmem>>)
    %dma_wait3A_61 = arith.constant 2 : i32
    %dma_wait3A_62 = arith.constant 256 : i32
    %dma_wait3A_63 = arith.constant 0 : i32
    %dma_wait3A_64 = tpu.memref_slice %arg6[%dma_wait3A_62, %dma_wait3A_63] : memref<512x32xf32, #tpu.memory_space<vmem>> -> memref<128x32xf32, #tpu.memory_space<vmem>>
    %dma_wait3A_65 = arith.constant 0 : i32
    %dma_wait3A_66 = tpu.memref_slice %arg5[%dma_wait3A_61, %dma_wait3A_65] : memref<4x128xi32, #tpu.memory_space<vmem>> -> memref<1x128xi32, #tpu.memory_space<vmem>>
    %dma_wait3A_67 = tpu.memref_squeeze %dma_wait3A_66 : memref<1x128xi32, #tpu.memory_space<vmem>> -> memref<128xi32, #tpu.memory_space<vmem>>
    %dma_wait3A_68 = arith.constant 0 : i32
    %dma_wait3A_69 = arith.constant 0 : i32
    %dma_wait3A_70 = tpu.memref_slice %arg3[%dma_wait3A_68, %dma_wait3A_69] : memref<1015808x32xf32, #tpu.memory_space<hbm>> -> memref<1015808x32xf32, #tpu.memory_space<hbm>>
    tpu.wait_indirect_dma semaphore(%arg7 : memref<!tpu.dma_semaphore, #tpu.memory_space<semaphore_mem>>) src(%dma_wait3A_70 : memref<1015808x32xf32, #tpu.memory_space<hbm>>) dst(%dma_wait3A_64 : memref<128x32xf32, #tpu.memory_space<vmem>>)
    %dma_wait3A_71 = arith.constant 3 : i32
    %dma_wait3A_72 = arith.constant 384 : i32
    %dma_wait3A_73 = arith.constant 0 : i32
    %dma_wait3A_74 = tpu.memref_slice %arg6[%dma_wait3A_72, %dma_wait3A_73] : memref<512x32xf32, #tpu.memory_space<vmem>> -> memref<128x32xf32, #tpu.memory_space<vmem>>
    %dma_wait3A_75 = arith.constant 0 : i32
    %dma_wait3A_76 = tpu.memref_slice %arg5[%dma_wait3A_71, %dma_wait3A_75] : memref<4x128xi32, #tpu.memory_space<vmem>> -> memref<1x128xi32, #tpu.memory_space<vmem>>
    %dma_wait3A_77 = tpu.memref_squeeze %dma_wait3A_76 : memref<1x128xi32, #tpu.memory_space<vmem>> -> memref<128xi32, #tpu.memory_space<vmem>>
    %dma_wait3A_78 = arith.constant 0 : i32
    %dma_wait3A_79 = arith.constant 0 : i32
    %dma_wait3A_80 = tpu.memref_slice %arg3[%dma_wait3A_78, %dma_wait3A_79] : memref<1015808x32xf32, #tpu.memory_space<hbm>> -> memref<1015808x32xf32, #tpu.memory_space<hbm>>
    tpu.wait_indirect_dma semaphore(%arg7 : memref<!tpu.dma_semaphore, #tpu.memory_space<semaphore_mem>>) src(%dma_wait3A_80 : memref<1015808x32xf32, #tpu.memory_space<hbm>>) dst(%dma_wait3A_74 : memref<128x32xf32, #tpu.memory_space<vmem>>)
    "tpu.region"() ({
      %run_scoped3A = tpu.sem_alloc : memref<!tpu.dma_semaphore, #tpu.memory_space<semaphore_mem>>
      %dma_start3A_81 = arith.constant 0 : i32
      %dma_start3A_82 = tpu.memref_slice %arg4[%mul3A_2, %dma_start3A_81] : memref<16384x32xf32, #tpu.memory_space<hbm>> -> memref<512x32xf32, #tpu.memory_space<hbm>>
      %dma_start3A_83 = arith.constant 0 : i32
      %dma_start3A_84 = tpu.memref_slice %arg4[%mul3A_2, %dma_start3A_83] : memref<16384x32xf32, #tpu.memory_space<hbm>> -> memref<512x32xf32, #tpu.memory_space<hbm>>
      tpu.enqueue_dma source(%arg6 : memref<512x32xf32, #tpu.memory_space<vmem>>) target(%dma_start3A_84 : memref<512x32xf32, #tpu.memory_space<hbm>>) target_semaphore(%run_scoped3A : memref<!tpu.dma_semaphore, #tpu.memory_space<semaphore_mem>>)
      %dma_wait3A_85 = arith.constant 0 : i32
      %dma_wait3A_86 = tpu.memref_slice %arg4[%mul3A_2, %dma_wait3A_85] : memref<16384x32xf32, #tpu.memory_space<hbm>> -> memref<512x32xf32, #tpu.memory_space<hbm>>
      %dma_wait3A_87 = arith.constant 0 : i32
      %dma_wait3A_88 = tpu.memref_slice %arg4[%mul3A_2, %dma_wait3A_87] : memref<16384x32xf32, #tpu.memory_space<hbm>> -> memref<512x32xf32, #tpu.memory_space<hbm>>
      tpu.wait_dma2 semaphore(%run_scoped3A : memref<!tpu.dma_semaphore, #tpu.memory_space<semaphore_mem>>) src(%arg6 : memref<512x32xf32, #tpu.memory_space<vmem>>) dst(%dma_wait3A_88 : memref<512x32xf32, #tpu.memory_space<hbm>>)
      tpu.yield
    }) : () -> ()
    return
  }
}

module attributes {stable_mosaic.version = 14 : i64} {
  func.func @_relayout_body(%arg0: i32, %arg1: memref<32x16384xf32, #tpu.memory_space<vmem>>, %arg2: memref<4096x128xf32, #tpu.memory_space<vmem>>) attributes {dimension_semantics = [#tpu.dimension_semantics<parallel>], iteration_bounds = array<i64: 62>, scalar_prefetch = 0 : i64, scratch_operands = 0 : i64, tpu.core_type = #tpu.core_type<tc>, window_params = [{transform_indices = @transform_0, window_bounds = array<i64: 32, 16384>}, {transform_indices = @transform_1, window_bounds = array<i64: 4096, 128>}]} {
    %get3A = arith.constant 0 : index
    %get3A_0 = arith.constant 0 : index
    %get3A_1 = vector.load %arg1[%get3A, %get3A_0] : memref<32x16384xf32, #tpu.memory_space<vmem>>, vector<32x16384xf32>
    %slice3A = vector.extract_strided_slice %get3A_1 {offsets = [0, 0], sizes = [32, 4096], strides = [1, 1]} : vector<32x16384xf32> to vector<32x4096xf32>
    %transpose3A = tpu.transpose %slice3A, [1, 0] : vector<32x4096xf32> -> vector<4096x32xf32>
    %slice3A_2 = vector.extract_strided_slice %get3A_1 {offsets = [0, 4096], sizes = [32, 4096], strides = [1, 1]} : vector<32x16384xf32> to vector<32x4096xf32>
    %transpose3A_3 = tpu.transpose %slice3A_2, [1, 0] : vector<32x4096xf32> -> vector<4096x32xf32>
    %slice3A_4 = vector.extract_strided_slice %get3A_1 {offsets = [0, 8192], sizes = [32, 4096], strides = [1, 1]} : vector<32x16384xf32> to vector<32x4096xf32>
    %transpose3A_5 = tpu.transpose %slice3A_4, [1, 0] : vector<32x4096xf32> -> vector<4096x32xf32>
    %slice3A_6 = vector.extract_strided_slice %get3A_1 {offsets = [0, 12288], sizes = [32, 4096], strides = [1, 1]} : vector<32x16384xf32> to vector<32x4096xf32>
    %transpose3A_7 = tpu.transpose %slice3A_6, [1, 0] : vector<32x4096xf32> -> vector<4096x32xf32>
    %concatenate3A = tpu.concatenate %transpose3A, %transpose3A_3, %transpose3A_5, %transpose3A_7 in 1 : vector<4096x32xf32>, vector<4096x32xf32>, vector<4096x32xf32>, vector<4096x32xf32> -> vector<4096x128xf32>
    %swap3A = arith.constant 0 : index
    %swap3A_8 = arith.constant 0 : index
    %swap3A_9 = vector.load %arg2[%swap3A, %swap3A_8] : memref<4096x128xf32, #tpu.memory_space<vmem>>, vector<4096x128xf32>
    tpu.vector_store %arg2[%swap3A, %swap3A_8], %concatenate3A {strides = array<i32>} : memref<4096x128xf32, #tpu.memory_space<vmem>>, vector<4096x128xf32>,
    return
  }
  func.func @transform_0(%arg0: i32) -> (i32, i32) {
    %c0_i32 = arith.constant 0 : i32
    %c0_i32_0 = arith.constant 0 : i32
    return %c0_i32, %arg0 : i32, i32
  }
  func.func @transform_1(%arg0: i32) -> (i32, i32) {
    %c0_i32 = arith.constant 0 : i32
    %c0_i32_0 = arith.constant 0 : i32
    return %arg0, %c0_i32 : i32, i32
  }
}

module attributes {stable_mosaic.version = 14 : i64} {
  func.func @_relayout_body(%arg0: i32, %arg1: memref<32x16384xf32, #tpu.memory_space<vmem>>, %arg2: memref<4096x128xf32, #tpu.memory_space<vmem>>) attributes {dimension_semantics = [#tpu.dimension_semantics<parallel>], iteration_bounds = array<i64: 7>, scalar_prefetch = 0 : i64, scratch_operands = 0 : i64, tpu.core_type = #tpu.core_type<tc>, window_params = [{transform_indices = @transform_0, window_bounds = array<i64: 32, 16384>}, {transform_indices = @transform_1, window_bounds = array<i64: 4096, 128>}]} {
    %get3A = arith.constant 0 : index
    %get3A_0 = arith.constant 0 : index
    %get3A_1 = vector.load %arg1[%get3A, %get3A_0] : memref<32x16384xf32, #tpu.memory_space<vmem>>, vector<32x16384xf32>
    %slice3A = vector.extract_strided_slice %get3A_1 {offsets = [0, 0], sizes = [32, 4096], strides = [1, 1]} : vector<32x16384xf32> to vector<32x4096xf32>
    %transpose3A = tpu.transpose %slice3A, [1, 0] : vector<32x4096xf32> -> vector<4096x32xf32>
    %slice3A_2 = vector.extract_strided_slice %get3A_1 {offsets = [0, 4096], sizes = [32, 4096], strides = [1, 1]} : vector<32x16384xf32> to vector<32x4096xf32>
    %transpose3A_3 = tpu.transpose %slice3A_2, [1, 0] : vector<32x4096xf32> -> vector<4096x32xf32>
    %slice3A_4 = vector.extract_strided_slice %get3A_1 {offsets = [0, 8192], sizes = [32, 4096], strides = [1, 1]} : vector<32x16384xf32> to vector<32x4096xf32>
    %transpose3A_5 = tpu.transpose %slice3A_4, [1, 0] : vector<32x4096xf32> -> vector<4096x32xf32>
    %slice3A_6 = vector.extract_strided_slice %get3A_1 {offsets = [0, 12288], sizes = [32, 4096], strides = [1, 1]} : vector<32x16384xf32> to vector<32x4096xf32>
    %transpose3A_7 = tpu.transpose %slice3A_6, [1, 0] : vector<32x4096xf32> -> vector<4096x32xf32>
    %concatenate3A = tpu.concatenate %transpose3A, %transpose3A_3, %transpose3A_5, %transpose3A_7 in 1 : vector<4096x32xf32>, vector<4096x32xf32>, vector<4096x32xf32>, vector<4096x32xf32> -> vector<4096x128xf32>
    %swap3A = arith.constant 0 : index
    %swap3A_8 = arith.constant 0 : index
    %swap3A_9 = vector.load %arg2[%swap3A, %swap3A_8] : memref<4096x128xf32, #tpu.memory_space<vmem>>, vector<4096x128xf32>
    tpu.vector_store %arg2[%swap3A, %swap3A_8], %concatenate3A {strides = array<i32>} : memref<4096x128xf32, #tpu.memory_space<vmem>>, vector<4096x128xf32>,
    return
  }
  func.func @transform_0(%arg0: i32) -> (i32, i32) {
    %c0_i32 = arith.constant 0 : i32
    %c0_i32_0 = arith.constant 0 : i32
    return %c0_i32, %arg0 : i32, i32
  }
  func.func @transform_1(%arg0: i32) -> (i32, i32) {
    %c0_i32 = arith.constant 0 : i32
    %c0_i32_0 = arith.constant 0 : i32
    return %arg0, %c0_i32 : i32, i32
  }
}

module attributes {stable_mosaic.version = 14 : i64} {
  func.func @_fc_body(%arg0: i32, %arg1: memref<2048x32xf32, #tpu.memory_space<vmem>>, %arg2: memref<2x2048x32xf32, #tpu.memory_space<vmem>>, %arg3: memref<2048x1xf32, #tpu.memory_space<vmem>>, %arg4: memref<32x64xf32, #tpu.memory_space<vmem>>, %arg5: memref<32x64xf32, #tpu.memory_space<vmem>>, %arg6: memref<32x64xf32, #tpu.memory_space<vmem>>, %arg7: memref<1x64xf32, #tpu.memory_space<vmem>>, %arg8: memref<1x64xf32, #tpu.memory_space<vmem>>, %arg9: memref<2048x64xf32, #tpu.memory_space<vmem>>) attributes {dimension_semantics = [#tpu.dimension_semantics<arbitrary>], iteration_bounds = array<i64: 8>, scalar_prefetch = 0 : i64, scratch_operands = 0 : i64, tpu.core_type = #tpu.core_type<tc>, window_params = [{transform_indices = @transform_0, window_bounds = array<i64: 2048, 32>}, {transform_indices = @transform_1, window_bounds = array<i64: 2, 2048, 32>}, {transform_indices = @transform_2, window_bounds = array<i64: 2048, 1>}, {pipeline_mode = #tpu.pipeline_mode<synchronous>, transform_indices = @transform_3, window_bounds = array<i64: 32, 64>}, {pipeline_mode = #tpu.pipeline_mode<synchronous>, transform_indices = @transform_4, window_bounds = array<i64: 32, 64>}, {pipeline_mode = #tpu.pipeline_mode<synchronous>, transform_indices = @transform_5, window_bounds = array<i64: 32, 64>}, {pipeline_mode = #tpu.pipeline_mode<synchronous>, transform_indices = @transform_6, window_bounds = array<i64: 1, 64>}, {pipeline_mode = #tpu.pipeline_mode<synchronous>, transform_indices = @transform_7, window_bounds = array<i64: 1, 64>}, {transform_indices = @transform_8, window_bounds = array<i64: 2048, 64>}]} {
    %get3A = arith.constant 0 : index
    %get3A_0 = arith.constant 0 : index
    %get3A_1 = vector.load %arg1[%get3A, %get3A_0] : memref<2048x32xf32, #tpu.memory_space<vmem>>, vector<2048x32xf32>
    %get3A_2 = arith.constant 0 : index
    %get3A_3 = arith.constant 0 : index
    %get3A_4 = vector.load %arg4[%get3A_2, %get3A_3] : memref<32x64xf32, #tpu.memory_space<vmem>>, vector<32x64xf32>
    %dot_general3A = arith.constant dense<0.000000e+00> : vector<2048x64xf32>
    %dot_general3A_5 = tpu.matmul %get3A_1, %get3A_4, %dot_general3A {dimension_numbers = #tpu.dot_dimension_numbers<[1], [0], [0], [1], [0, 0, 1, 1], [], []>, transpose_lhs_hint = false} : vector<2048x32xf32>, vector<32x64xf32>, vector<2048x64xf32> -> vector<2048x64xf32>
    %get3A_6 = arith.constant 0 : index
    %get3A_7 = arith.constant 0 : index
    %get3A_8 = arith.constant 0 : index
    %get3A_9 = vector.load %arg2[%get3A_6, %get3A_7, %get3A_8] : memref<2x2048x32xf32, #tpu.memory_space<vmem>>, vector<1x2048x32xf32>
    %get3A_10 = vector.shape_cast %get3A_9 : vector<1x2048x32xf32> to vector<2048x32xf32>
    %get3A_11 = arith.constant 0 : index
    %get3A_12 = arith.constant 0 : index
    %get3A_13 = vector.load %arg5[%get3A_11, %get3A_12] : memref<32x64xf32, #tpu.memory_space<vmem>>, vector<32x64xf32>
    %dot_general3A_14 = arith.constant dense<0.000000e+00> : vector<2048x64xf32>
    %dot_general3A_15 = tpu.matmul %get3A_10, %get3A_13, %dot_general3A_14 {dimension_numbers = #tpu.dot_dimension_numbers<[1], [0], [0], [1], [0, 0, 1, 1], [], []>, transpose_lhs_hint = false} : vector<2048x32xf32>, vector<32x64xf32>, vector<2048x64xf32> -> vector<2048x64xf32>
    %add3A = arith.addf %dot_general3A_5, %dot_general3A_15 : vector<2048x64xf32>
    %get3A_16 = arith.constant 1 : index
    %get3A_17 = arith.constant 0 : index
    %get3A_18 = arith.constant 0 : index
    %get3A_19 = vector.load %arg2[%get3A_16, %get3A_17, %get3A_18] : memref<2x2048x32xf32, #tpu.memory_space<vmem>>, vector<1x2048x32xf32>
    %get3A_20 = vector.shape_cast %get3A_19 : vector<1x2048x32xf32> to vector<2048x32xf32>
    %get3A_21 = arith.constant 0 : index
    %get3A_22 = arith.constant 0 : index
    %get3A_23 = vector.load %arg6[%get3A_21, %get3A_22] : memref<32x64xf32, #tpu.memory_space<vmem>>, vector<32x64xf32>
    %dot_general3A_24 = arith.constant dense<0.000000e+00> : vector<2048x64xf32>
    %dot_general3A_25 = tpu.matmul %get3A_20, %get3A_23, %dot_general3A_24 {dimension_numbers = #tpu.dot_dimension_numbers<[1], [0], [0], [1], [0, 0, 1, 1], [], []>, transpose_lhs_hint = false} : vector<2048x32xf32>, vector<32x64xf32>, vector<2048x64xf32> -> vector<2048x64xf32>
    %add3A_26 = arith.addf %add3A, %dot_general3A_25 : vector<2048x64xf32>
    %get3A_27 = arith.constant 0 : index
    %get3A_28 = arith.constant 0 : index
    %get3A_29 = vector.load %arg3[%get3A_27, %get3A_28] : memref<2048x1xf32, #tpu.memory_space<vmem>>, vector<2048x1xf32>
    %get3A_30 = arith.constant 0 : index
    %get3A_31 = arith.constant 0 : index
    %get3A_32 = vector.load %arg7[%get3A_30, %get3A_31] : memref<1x64xf32, #tpu.memory_space<vmem>>, vector<1x64xf32>
    %mul3A = vector.broadcast %get3A_29 : vector<2048x1xf32> to vector<2048x64xf32>
    %mul3A_33 = vector.broadcast %get3A_32 : vector<1x64xf32> to vector<2048x64xf32>
    %mul3A_34 = arith.mulf %mul3A, %mul3A_33 : vector<2048x64xf32>
    %add3A_35 = arith.addf %add3A_26, %mul3A_34 : vector<2048x64xf32>
    %get3A_36 = arith.constant 0 : index
    %get3A_37 = arith.constant 0 : index
    %get3A_38 = vector.load %arg8[%get3A_36, %get3A_37] : memref<1x64xf32, #tpu.memory_space<vmem>>, vector<1x64xf32>
    %add3A_39 = vector.broadcast %get3A_38 : vector<1x64xf32> to vector<2048x64xf32>
    %add3A_40 = arith.addf %add3A_35, %add3A_39 : vector<2048x64xf32>
    %swap3A = arith.constant 0 : index
    %swap3A_41 = arith.constant 0 : index
    %swap3A_42 = vector.load %arg9[%swap3A, %swap3A_41] : memref<2048x64xf32, #tpu.memory_space<vmem>>, vector<2048x64xf32>
    tpu.vector_store %arg9[%swap3A, %swap3A_41], %add3A_40 {strides = array<i32>} : memref<2048x64xf32, #tpu.memory_space<vmem>>, vector<2048x64xf32>,
    return
  }
  func.func @transform_0(%arg0: i32) -> (i32, i32) {
    %c0_i32 = arith.constant 0 : i32
    %c0_i32_0 = arith.constant 0 : i32
    return %arg0, %c0_i32 : i32, i32
  }
  func.func @transform_1(%arg0: i32) -> (i32, i32, i32) {
    %c0_i32 = arith.constant 0 : i32
    %c0_i32_0 = arith.constant 0 : i32
    %c0_i32_1 = arith.constant 0 : i32
    return %c0_i32, %arg0, %c0_i32_0 : i32, i32, i32
  }
  func.func @transform_2(%arg0: i32) -> (i32, i32) {
    %c0_i32 = arith.constant 0 : i32
    %c0_i32_0 = arith.constant 0 : i32
    return %arg0, %c0_i32 : i32, i32
  }
  func.func @transform_3(%arg0: i32) -> (i32, i32) {
    %c0_i32 = arith.constant 0 : i32
    %c0_i32_0 = arith.constant 0 : i32
    %c0_i32_1 = arith.constant 0 : i32
    return %c0_i32, %c0_i32_0 : i32, i32
  }
  func.func @transform_4(%arg0: i32) -> (i32, i32) {
    %c0_i32 = arith.constant 0 : i32
    %c0_i32_0 = arith.constant 0 : i32
    %c0_i32_1 = arith.constant 0 : i32
    return %c0_i32, %c0_i32_0 : i32, i32
  }
  func.func @transform_5(%arg0: i32) -> (i32, i32) {
    %c0_i32 = arith.constant 0 : i32
    %c0_i32_0 = arith.constant 0 : i32
    %c0_i32_1 = arith.constant 0 : i32
    return %c0_i32, %c0_i32_0 : i32, i32
  }
  func.func @transform_6(%arg0: i32) -> (i32, i32) {
    %c0_i32 = arith.constant 0 : i32
    %c0_i32_0 = arith.constant 0 : i32
    %c0_i32_1 = arith.constant 0 : i32
    return %c0_i32, %c0_i32_0 : i32, i32
  }
  func.func @transform_7(%arg0: i32) -> (i32, i32) {
    %c0_i32 = arith.constant 0 : i32
    %c0_i32_0 = arith.constant 0 : i32
    %c0_i32_1 = arith.constant 0 : i32
    return %c0_i32, %c0_i32_0 : i32, i32
  }
  func.func @transform_8(%arg0: i32) -> (i32, i32) {
    %c0_i32 = arith.constant 0 : i32
    %c0_i32_0 = arith.constant 0 : i32
    return %arg0, %c0_i32 : i32, i32
  }
}

</mosaic_0001>

<sc_bundles>
// kernel: kernel.10.cloned.1.call-start
scs
__scs_entry_jumppad:
0x0: {  	(pc) =	sbr.rel $0x88, $3  }
0x1: {  	(tag) =	ssettag $0x0;
	lr =	simm.s32 $0x1  }
0x2: {  	[smem:$0x3F98] =	sst lr;
	_ =	strace $0xD0000000  }
0x3: {  	_ = 	snop  }
0x4: {  	_ = 	snop  }
0x5: {  	_ = 	snop  }
0x6: {  	_ = 	snop  }
0x7: {  	_ = 	snop  }
__scs_overlays_trampoline_lowered:
0x8: {  	[smem:$0x3FA7] =	sst s0  }
0x9: {  	[smem:$0x3FA8] =	sst s1  }
0xa: {  	[smem:$0x3FA9] =	sst s2  }
0xb: {  	[smem:$0x3FAA] =	sst s3  }
0xc: {  	[smem:$0x3FAB] =	sst s4  }
0xd: {  	[smem:$0x3FAC] =	sst s5  }
0xe: {  	[smem:$0x3FAD] =	sst s6  }
0xf: {  	[smem:$0x3FAE] =	sst s7  }
0x10: {  	[smem:$0x3FAF] =	sst s8  }
0x11: {  	[smem:$0x3FB0] =	sst s9;
	s0 =	simm.s32 @!p0 $0x0  }
0x12: {  	s1 =	sld [smem:$0x3F96];
	s0 =	simm.s32 @p0 $0x1  }
0x13: {  	[smem:$0x3FB1] =	sst s0;
	s0 =	simm.s32 @!p1 $0x0  }
0x14: {  	s2 =	sld [smem:$0x3F95];
	s0 =	simm.s32 @p1 $0x1  }
0x15: {  	[smem:$0x3FB2] =	sst s0;
	s0 =	simm.s32 @!p2 $0x0  }
0x16: {  	s3 =	sld [smem:$0x3FDB];
	s0 =	simm.s32 @p2 $0x1  }
0x17: {  	s4 =	simm.s32 $0x1BF5;
	[smem:$0x3FB4] =	sst s0  }
0x18: {  	s0 =	sld [smem:$0x3F97];
	_ =	swait.ge [sflag:s4], $0x0  }
0x19: {  	s7 =	sld [smem:$0x3F98]  }
0x1a: {  	s8 =	sadd.s32 $0xFFFFE003, lr  }
0x1b: {  	s9 =	sadd.s32 $0xFFFFFEF7, lr;
	s5 =	simm.s32 $0xFFFFFFFF;
	p2 =	slt.u32 s8, $0xFFFFF086  }
0x1c: {  	p1 =	slt.u32 s9, $0xF7A;
	s5 =	simm.s32 @!p2 $0x0  }
0x1d: {  	s5 =	simm.s32 @p1 $0x1;
	p0 =	seq.s32 s7, s2  }
0x1e: {  	s7 =	smul.u32 @!p0 $0xF7A, s2;
	p2 =	seq.s32 @!p0 s5, $0x0  }
0x1f: {  	s9 =	smul.u32 $0xF7A, s1;
	s8 =	simm.s32 @!p0 $0x1BF5;
	p2 =	por !p2, p0  }
0x20: {  	[sflag:s8] =	ssyncset.s32 @!p0 $0xFFFFF086;
	s6 =	sadd.s32 @!p0 s3, s7;
	s7 =	simm.s32 @!p0 $0x108  }
0x21: {  	s3 =	sadd.s32 s3, s9;
	s6 =	sadd.s32 @!p0 $0x88, s6;
	s7 =	simm.s32 @p2 $0x1082  }
0x22: {  	[simem:s7], [sflag:s8] =	dma.local @!p0 [hbm:s6], $0xF7A  }
0x23: {  	s9 =	sor.u32 $0xD0000000, s2;
	s6 =	simm.s32 $0x108;
	_ =	swait.ge @!p0 [sflag:s8], $0x0  }
0x24: {  	s3 =	sadd.s32 $0x88, s3;
	s6 =	simm.s32 @!p1 $0x1082;
	[sflag:s4] =	ssyncset.s32 $0xFFFFF086  }
0x25: {  	[simem:s6], [sflag:s4] =	dma.local [hbm:s3], $0xF7A  }
0x26: {  	[smem:$0x3F98] =	sst s1;
	(tag) =	ssettag s2;
	_ =	strace s9  }
0x27: {  	s1 =	sld [smem:$0x3FA8]  }
0x28: {  	s2 =	sld [smem:$0x3FA9]  }
0x29: {  	s4 =	sld [smem:$0x3FAB]  }
0x2a: {  	p0 =	seq.s32 s5, $0x0;
	s5 =	sld [smem:$0x3FAC]  }
0x2b: {  	s6 =	sld [smem:$0x3FAD]  }
0x2c: {  	s7 =	sld [smem:$0x3FAE]  }
0x2d: {  	s3 =	simm.s32 $0x108;
	s8 =	sld [smem:$0x3FAF]  }
0x2e: {  	s3 =	simm.s32 @!p0 $0x1082;
	s9 =	sld [smem:$0x3FB0]  }
0x2f: {  	lr =	sadd.s32 s0, s3;
	s0 =	sld [smem:$0x3FA7]  }
0x30: {  	s3 =	sld [smem:$0x3FAA]  }
0x31: {  	[smem:$0x3FB3] =	sst s10  }
0x32: {  	s10 =	sld [smem:$0x3FB1];
	_ =	sdelay $0x3  }
0x33: {  	p0 =	seq.s32 s10, $0x1;
	s10 =	sld [smem:$0x3FB3];
	_ =	sdelay $0x3  }
0x34: {  	[smem:$0x3FB3] =	sst s10  }
0x35: {  	s10 =	sld [smem:$0x3FB2];
	_ =	sdelay $0x3  }
0x36: {  	p1 =	seq.s32 s10, $0x1;
	s10 =	sld [smem:$0x3FB3];
	_ =	sdelay $0x3  }
0x37: {  	[smem:$0x3FB3] =	sst s10  }
0x38: {  	s10 =	sld [smem:$0x3FB4]  }
0x39: {  	_ = 	snop;
	(pc) =	sbr.ind lr, $3  }
0x3a: {  	_ = 	snop  }
0x3b: {  	_ = 	snop  }
0x3c: {  	p2 =	seq.s32 s10, $0x1;
	s10 =	sld [smem:$0x3FB3]  }
0x3d: {  	_ =	shalt  }
0x3e: {  	_ =	shalt  }
0x3f: {  	_ =	shalt  }
0x40: {  	_ =	shalt  }
0x41: {  	_ =	shalt  }
0x42: {  	_ =	shalt  }
0x43: {  	_ =	shalt  }
0x44: {  	_ =	shalt  }
0x45: {  	_ =	shalt  }
0x46: {  	_ =	shalt  }
0x47: {  	_ =	shalt  }
0x48: {  	_ =	shalt  }
0x49: {  	_ =	shalt  }
0x4a: {  	_ =	shalt  }
0x4b: {  	_ =	shalt  }
0x4c: {  	_ =	shalt  }
0x4d: {  	_ =	shalt  }
0x4e: {  	_ =	shalt  }
0x4f: {  	_ =	shalt  }
0x50: {  	_ =	shalt  }
0x51: {  	_ =	shalt  }
0x52: {  	_ =	shalt  }
0x53: {  	_ =	shalt  }
0x54: {  	_ =	shalt  }
0x55: {  	_ =	shalt  }
0x56: {  	_ =	shalt  }
0x57: {  	_ =	shalt  }
0x58: {  	_ =	shalt  }
0x59: {  	_ =	shalt  }
0x5a: {  	_ =	shalt  }
0x5b: {  	_ =	shalt  }
0x5c: {  	_ =	shalt  }
0x5d: {  	_ =	shalt  }
0x5e: {  	_ =	shalt  }
0x5f: {  	_ =	shalt  }
0x60: {  	_ =	shalt  }
0x61: {  	_ =	shalt  }
0x62: {  	_ =	shalt  }
0x63: {  	_ =	shalt  }
0x64: {  	_ =	shalt  }
0x65: {  	_ =	shalt  }
0x66: {  	_ =	shalt  }
0x67: {  	_ =	shalt  }
0x68: {  	_ =	shalt  }
0x69: {  	_ =	shalt  }
0x6a: {  	_ =	shalt  }
0x6b: {  	_ =	shalt  }
0x6c: {  	_ =	shalt  }
0x6d: {  	_ =	shalt  }
0x6e: {  	_ =	shalt  }
0x6f: {  	_ =	shalt  }
0x70: {  	_ =	shalt  }
0x71: {  	_ =	shalt  }
0x72: {  	_ =	shalt  }
0x73: {  	_ =	shalt  }
0x74: {  	_ =	shalt  }
0x75: {  	_ =	shalt  }
0x76: {  	_ =	shalt  }
0x77: {  	_ =	shalt  }
0x78: {  	_ =	shalt  }
0x79: {  	_ =	shalt  }
0x7a: {  	_ =	shalt  }
0x7b: {  	_ =	shalt  }
0x7c: {  	_ =	shalt  }
0x7d: {  	_ =	shalt  }
0x7e: {  	_ =	shalt  }
0x7f: {  	_ =	shalt  }
0x80: {  	_ =	shalt  }
0x81: {  	_ =	shalt  }
0x82: {  	_ =	shalt  }
0x83: {  	_ =	shalt  }
0x84: {  	_ =	shalt  }
0x85: {  	_ =	shalt  }
0x86: {  	_ =	shalt  }
0x87: {  	_ =	shalt  }
.Lfunc_end0:
.L_simem_size_0:
called_computation.1_lowered:
.L_overlay_start_0:
0x88: {  	s2 =	sld [smem:$0x3FD9]  }
0x89: {  	s3 =	sld [smem:$0x3FFE];
	_ =	sdelay $0x1  }
0x8a: {  	s1 =	srdreg.scid  }
0x8b: {  	s0 =	sand.u32 $0x1, s1  }
0x8c: {  	s16 =	sshll.u32 s0, $0xA;
	s2 =	sadd.s32 s3, s2  }
0x8d: {  	s2 =	sadd.s32 s2, s16  }
0x8e: {  	[smem:$0x3FBF] =	sst s2  }
0x8f: {  	_ = 	snop  }
0x90: {  	(tm) =	ssettm $0x1  }
0x91: {  	s17 =	sld [smem:$0x3FFB];
	_ =	sdelay $0x3  }
0x92: {  	_ =	strace s17  }
0x93: {  	s2 =	sld [smem:$0x3FFC];
	_ =	sdelay $0x3  }
0x94: {  	_ =	strace s2  }
0x95: {  	s2 =	sld [smem:$0x3FFD];
	_ =	sdelay $0x3  }
0x96: {  	_ =	strace s2  }
0x97: {  	_ =	strace $0x8FFFFFFF  }
0x98: {  	s18 =	sld [smem:$0x3FDB];
	_ =	sdelay $0x1  }
0x99: {  	s19 =	simm.s32 $_scs_section_size  }
0x9a: {  	s4 =	simm.s32 $_size__tile_overlayer_lowered;
	s5 =	simm.s32 $_tile_overlayer_lowered  }
0x9b: {  	s22 =	simm.s32 $0x1BFF;
	s21 =	sshll.u32 s5, $0x1;
	s2 =	sadd.s32 s19, s18  }
0x9c: {  	s6 =	simm.s32 $0x0;
	s20 =	sshll.u32 s4, $0x1;
	s4 =	sadd.s32 s21, s2  }
0x9d: {  	[timem:s6], [sflag:s22] =	dma.local [hbm:s4], s20  }
0x9e: {  	_ =	swait.ge [sflag:s22], s20  }
0x9f: {  	s3 =	ssub.s32 $0x0, s20;
	[sflag:s22] =	ssyncset.done $0x0  }
0xa0: {  	[sflag:s22] =	ssyncadd.s32 s3;
	_ =	sdelay $0x1  }
0xa1: {  	s23 =	simm.s32 $0x1B8B  }
0xa2: {  	_ =	swait.ge [sflag:s23], $0x1  }
0xa3: {  	[sflag:s23] =	ssyncset.done $0x0  }
0xa4: {  	s25 =	simm.s32 $0x1B8E;
	s24 =	sld [smem:$0x3FFE];
	[sflag:s23] =	ssyncadd.s32 $0xFFFFFFFF  }
0xa5: {  	s26 =	simm.s32 $execute0_lowered;
	[smem:$0x3FD2] =	sst s25  }
0xa6: {  	s4 =	sshll.u32 s26, $0x1;
	_ =	strace $0x80000046;
	[dreg:$0x1] =	wrdreg $0xFFFFFFFF  }
0xa7: {  	s28 =	simm.s32 $_size_execute0_lowered;
	s2 =	sadd.s32 s2, s4;
	[dreg:$0x0] =	wrdreg $0x0  }
0xa8: {  	s4 =	sshll.u32 s28, $0x1;
	[dreg:$0x2] =	wrdreg s2  }
0xa9: {  	[dreg:$0x3] =	wrdreg s4  }
0xaa: {  	[dreg:$0x4] =	wrdreg $0xC0  }
0xab: {  	_ =	task [dreg:s6], $0x5FFFF  }
0xac: {  	[dreg:$0x1] =	wrdreg $0xFFFFFFFF  }
0xad: {  	[dreg:$0x0] =	wrdreg $0x60  }
0xae: {  	[dreg:$0x2] =	wrdreg s24  }
0xaf: {  	[dreg:$0x3] =	wrdreg $0xA  }
0xb0: {  	_ =	task.clear_ibuf [dreg:s6], $0x4FFFF;
	_ =	strace $0x90000046  }
0xb1: {  	s29 =	simm.s32 $0xA;
	_ =	strace $0x80000048  }
0xb2: {  	_ =	swait.ge [sflag:s29], $0x1  }
0xb3: {  	[sflag:s29] =	ssyncadd.s32 $0xFFFFFFFF  }
0xb4: {  	_ =	strace $0x90000048  }
0xb5: {  	_ =	sfence  }
0xb6: {  	s30 =	sld [smem:$0x0];
	_ =	sdelay $0x2  }
0xb7: {  	s31 =	sshll.u32 s1, $0xD;
	s1 =	sshrl.u32 s1, $0x2  }
0xb8: {  	s3 =	sand.u32 $0x4000, s31;
	s1 =	sadd.s32 s1, s30  }
0xb9: {  	s0 =	sor.u32 s3, s0;
	s1 =	sshll.u32 s1, $0x11  }
0xba: {  	s0 =	sor.u32 s1, s0  }
0xbb: {  	s0 =	sadd.s32 $0x8F2B, s0  }
0xbc: {  	[sflag:s0] =	ssyncadd.remote.s32 $0x1  }
0xbd: {  	_ =	sfence.sel $0xFFFF  }
0xbe: {  	[dreg:$0x0] =	wrdreg $0xFFFFFFFF;
	(pc) =	sbr.abs _section_cstart, $3  }
0xbf: {  	[dreg:$0x1] =	wrdreg $0xFFFFFFFF  }
0xc0: {  	_ =	task.clear_ibuf [dreg:s6], $0x2FFFF;
	_ =	strace $0x9FFFFFFF  }
0xc1: {  	(tm) =	ssettm $0x7FFFFFFF  }
tec
execute0_lowered:
.L_overlay_start_1:
0x0: {  	(tag) =	ssettag $0x1  }
0x1: {  	s1 =	srdreg.scid  }
0x2: {  	s0 =	stileid.u32;
	s14 =	sand.u32 $0x1, s1  }
0x3: {  	s29 =	sshll.u32 s0, $0xA;
	s2 =	sshll.u32 s14, $0x9  }
0x4: {  	s15 =	rddreg [dreg:$0x0];
	s16 =	sor.u32 s2, s29  }
0x5: {  	s1 =	rddreg [dreg:$0x1];
	s2 =	simm.s32 $0x0;
	s3 =	sshrl.u32 s16, $0x3  }
0x6: {  	[smem:$0x7FF] =	sst s2;
	s3 =	sadd.s32 s3, s15  }
0x7: {  	_ =	strace $0x80000047;
	s4 =	sadd.s32 $0x2400, s3;
	s3 =	simm.s32 $0x2  }
0x8: {  	[tilespmem:s2], [sflag:$0x2] =	stream.linear.gather [hbm4b:s4+s2], $0x200, $0x38;
	[tilespmem:$0x4200] =	vst v63  }
0x9: {  	_ =	swait.ge [sflag:s3], $0x200  }
0xa: {  	s6 =	simm.s32 $0x80;
	[sflag:s3] =	ssyncset.done $0x0  }
0xb: {  	s7 =	simm.s32 $0x200;
	s5 =	sadd.s32 $0x2C00, s15;
	[sflag:s3] =	ssyncadd.s32 $0xFFFFFE00  }
0xc: {  	[tilespmem:s7], [sflag:$0x1] =	stream.indirect.gather [hbm4b:s5+s6], $0x20, s2, s6, $0xb8;
	[tilespmem:$0x4200] =	vst v63  }
0xd: {  	s8 =	simm.s32 $0x1200  }
0xe: {  	[tilespmem:s8], [sflag:$0x1] =	stream.indirect.gather [hbm4b:s5+s6], $0x20, s6, s6, $0xb8;
	[tilespmem:$0x4200] =	vst v63  }
0xf: {  	s9 =	simm.s32 $0x100;
	s10 =	simm.s32 $0x2200  }
0x10: {  	[tilespmem:s10], [sflag:$0x1] =	stream.indirect.gather [hbm4b:s5+s6], $0x20, s9, s6, $0xb8;
	[tilespmem:$0x4200] =	vst v63  }
0x11: {  	s11 =	simm.s32 $0x180;
	s12 =	simm.s32 $0x3200;
	s13 =	simm.s32 $0x1  }
0x12: {  	[tilespmem:s12], [sflag:$0x1] =	stream.indirect.gather [hbm4b:s5+s6], $0x20, s11, s6, $0xb8;
	[tilespmem:$0x4200] =	vst v63  }
0x13: {  	_ =	swait.ge [sflag:s13], $0x1000  }
0x14: {  	[sflag:s13] =	ssyncset.done $0x0  }
0x15: {  	[sflag:s13] =	ssyncadd.s32 $0xFFFFF000  }
0x16: {  	_ =	swait.ge [sflag:s13], $0x1000  }
0x17: {  	[sflag:s13] =	ssyncset.done $0x0  }
0x18: {  	s14 =	ssub.s32 $0x2, s14;
	[sflag:s13] =	ssyncadd.s32 $0xFFFFF000  }
0x19: {  	s17 =	sshrl.u32 s14, $0x1;
	_ =	swait.ge [sflag:s13], $0x1000  }
0x1a: {  	s30 =	ssub.s32 s14, s17;
	[sflag:s13] =	ssyncset.done $0x0  }
0x1b: {  	s31 =	smax.u32 s30, $0x1;
	[sflag:s13] =	ssyncadd.s32 $0xFFFFF000  }
0x1c: {  	s16 =	sshll.u32 s16, $0x2;
	p0 =	sne.s32 s31, $0x1;
	_ =	swait.ge [sflag:s13], $0x1000  }
.Ltmp0:
0x1d: {  	s15 =	sadd.s32 s16, s15;
	[sflag:s13] =	ssyncset.done $0x0;
	(pc) =	sbr.rel @!p0 .LBB2_2-.Ltmp0, $4  }
0x1e: {  	s14 =	sadd.s32 $0x3E2C00, s15;
	[sflag:s13] =	ssyncadd.s32 $0xFFFFF000  }
0x1f: {  	[hbm4b:s14+s2] =	stream.linear.scatter [tilespmem:s7], [sflag:$0x2], $0x4000, $0x38;
	[tilespmem:$0x4200] =	vst v63  }
0x20: {  	_ =	swait.ge [sflag:s3], $0x4000  }
0x21: {  	s15 =	sadd.s32 $0xFFFFFFFF, s31;
	[sflag:s3] =	ssyncset.done $0x0  }
.LBB2_1:
0x22: {  	p0 =	sne.s32 s15, $0x1;
	s15 =	sadd.s32 $0xFFFFFFFF, s15;
	[sflag:s3] =	ssyncadd.s32 $0xFFFFC000  }
0x23: {  	[tilespmem:s2], [sflag:$0x2] =	stream.linear.gather [hbm4b:s4+s2], $0x200, $0x38;
	[tilespmem:$0x4200] =	vst v63  }
0x24: {  	_ =	swait.ge [sflag:s3], $0x200  }
0x25: {  	[sflag:s3] =	ssyncset.done $0x0  }
0x26: {  	[sflag:s3] =	ssyncadd.s32 $0xFFFFFE00  }
0x27: {  	[tilespmem:s7], [sflag:$0x1] =	stream.indirect.gather [hbm4b:s5+s6], $0x20, s2, s6, $0xb8;
	[tilespmem:$0x4200] =	vst v63  }
0x28: {  	_ = 	snop  }
0x29: {  	[tilespmem:s8], [sflag:$0x1] =	stream.indirect.gather [hbm4b:s5+s6], $0x20, s6, s6, $0xb8;
	[tilespmem:$0x4200] =	vst v63  }
0x2a: {  	_ = 	snop  }
0x2b: {  	[tilespmem:s10], [sflag:$0x1] =	stream.indirect.gather [hbm4b:s5+s6], $0x20, s9, s6, $0xb8;
	[tilespmem:$0x4200] =	vst v63  }
0x2c: {  	_ = 	snop  }
0x2d: {  	[tilespmem:s12], [sflag:$0x1] =	stream.indirect.gather [hbm4b:s5+s6], $0x20, s11, s6, $0xb8;
	[tilespmem:$0x4200] =	vst v63  }
0x2e: {  	_ =	swait.ge [sflag:s13], $0x1000  }
0x2f: {  	[sflag:s13] =	ssyncset.done $0x0  }
0x30: {  	[sflag:s13] =	ssyncadd.s32 $0xFFFFF000  }
0x31: {  	_ =	swait.ge [sflag:s13], $0x1000  }
0x32: {  	[sflag:s13] =	ssyncset.done $0x0  }
0x33: {  	[sflag:s13] =	ssyncadd.s32 $0xFFFFF000  }
0x34: {  	_ =	swait.ge [sflag:s13], $0x1000  }
0x35: {  	[sflag:s13] =	ssyncset.done $0x0  }
0x36: {  	[sflag:s13] =	ssyncadd.s32 $0xFFFFF000  }
0x37: {  	_ =	swait.ge [sflag:s13], $0x1000  }
.Ltmp1:
0x38: {  	[sflag:s13] =	ssyncset.done $0x0;
	(pc) =	sbr.rel @p0 .LBB2_1-.Ltmp1, $4  }
0x39: {  	[sflag:s13] =	ssyncadd.s32 $0xFFFFF000  }
0x3a: {  	[hbm4b:s14+s2] =	stream.linear.scatter [tilespmem:s7], [sflag:$0x2], $0x4000, $0x38;
	[tilespmem:$0x4200] =	vst v63  }
0x3b: {  	_ =	swait.ge [sflag:s3], $0x4000  }
0x3c: {  	[sflag:s3] =	ssyncset.done $0x0  }
.LBB2_2:
0x3d: {  	[sflag:s3] =	ssyncadd.s32 $0xFFFFC000  }
0x3e: {  	_ =	sfence.sel $0x180000  }
0x3f: {  	[bflag:$0x0] =	sbarrier.arrive $0xFFFF  }
0x40: {  	p0 =	sne.s32 s0, $0x0;
	_ =	strace $0x90000047  }
0x41: {  	s0 =	sadd.s32 @!p0 $0x100000, s1;
	[bflag:$0x2] =	sbarrier.arrive $0xFFFF  }
0x42: {  	[sflag:s0] =	ssyncadd.tile.s32 @!p0 $0x1;
	_ =	shalt  }
.Lfunc_end2:
_tile_overlayer_lowered:
.L_overlay_start_2:
0x43: {  	(tag) =	ssettag $0x2  }
0x44: {  	s0 =	rddreg [dreg:$0x0];
	s2 =	stileid.u32  }
0x45: {  	s1 =	rddreg [dreg:$0x1];
	p0 =	sne.s32 s2, $0x0  }
0x46: {  	s3 =	rddreg [dreg:$0x2];
	[bflag:$0x3] =	sbarrier.arrive $0xFFFF;
	s2 =	simm.s32 @!p0 $0x1C02  }
0x47: {  	[timem:s3], [sflag:s2] =	dma.local @!p0 [hbm:s0], s1  }
0x48: {  	s0 =	simm.s32 @!p0 $0x2  }
0x49: {  	_ =	swait.ge @!p0 [sflag:s0], s1  }
0x4a: {  	s1 =	ssub.s32 @!p0 $0x0, s1;
	[sflag:s0] =	ssyncset.done @!p0 $0x0  }
0x4b: {  	[sflag:s0] =	ssyncadd.s32 @!p0 s1  }
0x4c: {  	[bflag:$0x3] =	sbarrier.arrive $0xFFFF  }
0x4d: {  	_ =	shalt  }

// kernel: kernel.7.cloned.1.call-start
scs
__scs_entry_jumppad:
0x0: {  	(pc) =	sbr.rel $0x88, $3  }
0x1: {  	(tag) =	ssettag $0x0;
	lr =	simm.s32 $0x1  }
0x2: {  	[smem:$0x3F98] =	sst lr;
	_ =	strace $0xD0000000  }
0x3: {  	_ = 	snop  }
0x4: {  	_ = 	snop  }
0x5: {  	_ = 	snop  }
0x6: {  	_ = 	snop  }
0x7: {  	_ = 	snop  }
__scs_overlays_trampoline_lowered:
0x8: {  	[smem:$0x3FA7] =	sst s0  }
0x9: {  	[smem:$0x3FA8] =	sst s1  }
0xa: {  	[smem:$0x3FA9] =	sst s2  }
0xb: {  	[smem:$0x3FAA] =	sst s3  }
0xc: {  	[smem:$0x3FAB] =	sst s4  }
0xd: {  	[smem:$0x3FAC] =	sst s5  }
0xe: {  	[smem:$0x3FAD] =	sst s6  }
0xf: {  	[smem:$0x3FAE] =	sst s7  }
0x10: {  	[smem:$0x3FAF] =	sst s8  }
0x11: {  	[smem:$0x3FB0] =	sst s9;
	s0 =	simm.s32 @!p0 $0x0  }
0x12: {  	s1 =	sld [smem:$0x3F96];
	s0 =	simm.s32 @p0 $0x1  }
0x13: {  	[smem:$0x3FB1] =	sst s0;
	s0 =	simm.s32 @!p1 $0x0  }
0x14: {  	s2 =	sld [smem:$0x3F95];
	s0 =	simm.s32 @p1 $0x1  }
0x15: {  	[smem:$0x3FB2] =	sst s0;
	s0 =	simm.s32 @!p2 $0x0  }
0x16: {  	s3 =	sld [smem:$0x3FDB];
	s0 =	simm.s32 @p2 $0x1  }
0x17: {  	s4 =	simm.s32 $0x1BF5;
	[smem:$0x3FB4] =	sst s0  }
0x18: {  	s0 =	sld [smem:$0x3F97];
	_ =	swait.ge [sflag:s4], $0x0  }
0x19: {  	s7 =	sld [smem:$0x3F98]  }
0x1a: {  	s8 =	sadd.s32 $0xFFFFE003, lr  }
0x1b: {  	s9 =	sadd.s32 $0xFFFFFEF7, lr;
	s5 =	simm.s32 $0xFFFFFFFF;
	p2 =	slt.u32 s8, $0xFFFFF086  }
0x1c: {  	p1 =	slt.u32 s9, $0xF7A;
	s5 =	simm.s32 @!p2 $0x0  }
0x1d: {  	s5 =	simm.s32 @p1 $0x1;
	p0 =	seq.s32 s7, s2  }
0x1e: {  	s7 =	smul.u32 @!p0 $0xF7A, s2;
	p2 =	seq.s32 @!p0 s5, $0x0  }
0x1f: {  	s9 =	smul.u32 $0xF7A, s1;
	s8 =	simm.s32 @!p0 $0x1BF5;
	p2 =	por !p2, p0  }
0x20: {  	[sflag:s8] =	ssyncset.s32 @!p0 $0xFFFFF086;
	s6 =	sadd.s32 @!p0 s3, s7;
	s7 =	simm.s32 @!p0 $0x108  }
0x21: {  	s3 =	sadd.s32 s3, s9;
	s6 =	sadd.s32 @!p0 $0x88, s6;
	s7 =	simm.s32 @p2 $0x1082  }
0x22: {  	[simem:s7], [sflag:s8] =	dma.local @!p0 [hbm:s6], $0xF7A  }
0x23: {  	s9 =	sor.u32 $0xD0000000, s2;
	s6 =	simm.s32 $0x108;
	_ =	swait.ge @!p0 [sflag:s8], $0x0  }
0x24: {  	s3 =	sadd.s32 $0x88, s3;
	s6 =	simm.s32 @!p1 $0x1082;
	[sflag:s4] =	ssyncset.s32 $0xFFFFF086  }
0x25: {  	[simem:s6], [sflag:s4] =	dma.local [hbm:s3], $0xF7A  }
0x26: {  	[smem:$0x3F98] =	sst s1;
	(tag) =	ssettag s2;
	_ =	strace s9  }
0x27: {  	s1 =	sld [smem:$0x3FA8]  }
0x28: {  	s2 =	sld [smem:$0x3FA9]  }
0x29: {  	s4 =	sld [smem:$0x3FAB]  }
0x2a: {  	p0 =	seq.s32 s5, $0x0;
	s5 =	sld [smem:$0x3FAC]  }
0x2b: {  	s6 =	sld [smem:$0x3FAD]  }
0x2c: {  	s7 =	sld [smem:$0x3FAE]  }
0x2d: {  	s3 =	simm.s32 $0x108;
	s8 =	sld [smem:$0x3FAF]  }
0x2e: {  	s3 =	simm.s32 @!p0 $0x1082;
	s9 =	sld [smem:$0x3FB0]  }
0x2f: {  	lr =	sadd.s32 s0, s3;
	s0 =	sld [smem:$0x3FA7]  }
0x30: {  	s3 =	sld [smem:$0x3FAA]  }
0x31: {  	[smem:$0x3FB3] =	sst s10  }
0x32: {  	s10 =	sld [smem:$0x3FB1];
	_ =	sdelay $0x3  }
0x33: {  	p0 =	seq.s32 s10, $0x1;
	s10 =	sld [smem:$0x3FB3];
	_ =	sdelay $0x3  }
0x34: {  	[smem:$0x3FB3] =	sst s10  }
0x35: {  	s10 =	sld [smem:$0x3FB2];
	_ =	sdelay $0x3  }
0x36: {  	p1 =	seq.s32 s10, $0x1;
	s10 =	sld [smem:$0x3FB3];
	_ =	sdelay $0x3  }
0x37: {  	[smem:$0x3FB3] =	sst s10  }
0x38: {  	s10 =	sld [smem:$0x3FB4]  }
0x39: {  	_ = 	snop;
	(pc) =	sbr.ind lr, $3  }
0x3a: {  	_ = 	snop  }
0x3b: {  	_ = 	snop  }
0x3c: {  	p2 =	seq.s32 s10, $0x1;
	s10 =	sld [smem:$0x3FB3]  }
0x3d: {  	_ =	shalt  }
0x3e: {  	_ =	shalt  }
0x3f: {  	_ =	shalt  }
0x40: {  	_ =	shalt  }
0x41: {  	_ =	shalt  }
0x42: {  	_ =	shalt  }
0x43: {  	_ =	shalt  }
0x44: {  	_ =	shalt  }
0x45: {  	_ =	shalt  }
0x46: {  	_ =	shalt  }
0x47: {  	_ =	shalt  }
0x48: {  	_ =	shalt  }
0x49: {  	_ =	shalt  }
0x4a: {  	_ =	shalt  }
0x4b: {  	_ =	shalt  }
0x4c: {  	_ =	shalt  }
0x4d: {  	_ =	shalt  }
0x4e: {  	_ =	shalt  }
0x4f: {  	_ =	shalt  }
0x50: {  	_ =	shalt  }
0x51: {  	_ =	shalt  }
0x52: {  	_ =	shalt  }
0x53: {  	_ =	shalt  }
0x54: {  	_ =	shalt  }
0x55: {  	_ =	shalt  }
0x56: {  	_ =	shalt  }
0x57: {  	_ =	shalt  }
0x58: {  	_ =	shalt  }
0x59: {  	_ =	shalt  }
0x5a: {  	_ =	shalt  }
0x5b: {  	_ =	shalt  }
0x5c: {  	_ =	shalt  }
0x5d: {  	_ =	shalt  }
0x5e: {  	_ =	shalt  }
0x5f: {  	_ =	shalt  }
0x60: {  	_ =	shalt  }
0x61: {  	_ =	shalt  }
0x62: {  	_ =	shalt  }
0x63: {  	_ =	shalt  }
0x64: {  	_ =	shalt  }
0x65: {  	_ =	shalt  }
0x66: {  	_ =	shalt  }
0x67: {  	_ =	shalt  }
0x68: {  	_ =	shalt  }
0x69: {  	_ =	shalt  }
0x6a: {  	_ =	shalt  }
0x6b: {  	_ =	shalt  }
0x6c: {  	_ =	shalt  }
0x6d: {  	_ =	shalt  }
0x6e: {  	_ =	shalt  }
0x6f: {  	_ =	shalt  }
0x70: {  	_ =	shalt  }
0x71: {  	_ =	shalt  }
0x72: {  	_ =	shalt  }
0x73: {  	_ =	shalt  }
0x74: {  	_ =	shalt  }
0x75: {  	_ =	shalt  }
0x76: {  	_ =	shalt  }
0x77: {  	_ =	shalt  }
0x78: {  	_ =	shalt  }
0x79: {  	_ =	shalt  }
0x7a: {  	_ =	shalt  }
0x7b: {  	_ =	shalt  }
0x7c: {  	_ =	shalt  }
0x7d: {  	_ =	shalt  }
0x7e: {  	_ =	shalt  }
0x7f: {  	_ =	shalt  }
0x80: {  	_ =	shalt  }
0x81: {  	_ =	shalt  }
0x82: {  	_ =	shalt  }
0x83: {  	_ =	shalt  }
0x84: {  	_ =	shalt  }
0x85: {  	_ =	shalt  }
0x86: {  	_ =	shalt  }
0x87: {  	_ =	shalt  }
.Lfunc_end0:
.L_simem_size_0:
called_computation_lowered:
.L_overlay_start_0:
0x88: {  	s2 =	sld [smem:$0x3FD9]  }
0x89: {  	s3 =	sld [smem:$0x3FFE];
	_ =	sdelay $0x1  }
0x8a: {  	s1 =	srdreg.scid  }
0x8b: {  	s0 =	sand.u32 $0x1, s1  }
0x8c: {  	s17 =	sshll.u32 s0, $0xA;
	s2 =	sadd.s32 s3, s2  }
0x8d: {  	s2 =	sadd.s32 s2, s17  }
0x8e: {  	[smem:$0x3FBF] =	sst s2  }
0x8f: {  	_ = 	snop  }
0x90: {  	s4 =	sld [smem:$0x3FC8]  }
0x91: {  	s18 =	sld [smem:$0x3FD0];
	(tm) =	ssettm $0x1  }
0x92: {  	s19 =	sld [smem:$0x3FFB];
	_ =	sdelay $0x3  }
0x93: {  	_ =	strace s19  }
0x94: {  	s2 =	sld [smem:$0x3FFC];
	_ =	sdelay $0x3  }
0x95: {  	_ =	strace s2  }
0x96: {  	s2 =	sld [smem:$0x3FFD];
	_ =	sdelay $0x3  }
0x97: {  	_ =	strace s2  }
0x98: {  	_ =	strace $0x8FFFFFFF  }
0x99: {  	s20 =	sld [smem:$0x3FDB];
	_ =	sdelay $0x1  }
0x9a: {  	s5 =	simm.s32 $_scs_section_size  }
0x9b: {  	s6 =	simm.s32 $_size__tile_overlayer_lowered;
	s7 =	simm.s32 $_tile_overlayer_lowered  }
0x9c: {  	s8 =	simm.s32 $0x1BFF;
	s21 =	sshll.u32 s7, $0x1;
	s5 =	sadd.s32 s5, s20  }
0x9d: {  	s22 =	simm.s32 $0x0;
	s6 =	sshll.u32 s6, $0x1;
	s7 =	sadd.s32 s21, s5  }
0x9e: {  	[timem:s22], [sflag:s8] =	dma.local [hbm:s7], s6  }
0x9f: {  	_ =	swait.ge [sflag:s8], s6  }
0xa0: {  	s6 =	ssub.s32 $0x0, s6;
	[sflag:s8] =	ssyncset.done $0x0  }
0xa1: {  	[sflag:s8] =	ssyncadd.s32 s6;
	_ =	sdelay $0x1  }
0xa2: {  	s23 =	simm.s32 $0x1B8B  }
0xa3: {  	_ =	swait.ge [sflag:s23], $0x1  }
0xa4: {  	[sflag:s23] =	ssyncset.done $0x0  }
0xa5: {  	[sflag:s23] =	ssyncadd.s32 $0xFFFFFFFF  }
0xa6: {  	s6 =	sld [smem:$0x0]  }
0xa7: {  	s7 =	sand.u32 $0xFFFFFFFE, s1  }
0xa8: {  	p0 =	sne.s32 s1, s7  }
0xa9: {  	s7 =	sshll.u32 @p0 s7, $0xE  }
0xaa: {  	s7 =	sadd.s32 @p0 $0x11B8D, s7;
	s8 =	sshll.u32 @p0 s6, $0x11  }
0xab: {  	s7 =	sor.u32 @p0 s8, s7  }
0xac: {  	[sflag:s7] =	ssyncadd.remote.s32 @p0 $0x1;
	_ =	sdelay $0x1  }
0xad: {  	s7 =	simm.s32 @p0 $0x1B8D  }
0xae: {  	_ =	swait.eq @p0 [sflag:s7], $0x1  }
0xaf: {  	[sflag:s7] =	ssyncadd.s32 @p0 $0xFFFFFFFF  }
0xb0: {  	s8 =	sshll.u32 @!p0 s1, $0xE  }
0xb1: {  	s8 =	sor.u32 @!p0 $0x4000, s8;
	s7 =	simm.s32 @!p0 $0x1B8D  }
0xb2: {  	s6 =	sshll.u32 @!p0 s6, $0x11;
	s8 =	sadd.s32 @!p0 $0x11B8D, s8;
	_ =	swait.eq @!p0 [sflag:s7], $0x1  }
0xb3: {  	s6 =	sor.u32 @!p0 s6, s8;
	[sflag:s7] =	ssyncadd.s32 @!p0 $0xFFFFFFFF  }
0xb4: {  	s25 =	simm.s32 $0x1B8E;
	s24 =	sld [smem:$0x3FFE];
	[sflag:s6] =	ssyncadd.remote.s32 @!p0 $0x1  }
0xb5: {  	s26 =	simm.s32 $execute0_lowered;
	[smem:$0x3FD2] =	sst s25  }
0xb6: {  	s7 =	sshll.u32 s26, $0x1;
	_ =	strace $0x80000049;
	[dreg:$0x1] =	wrdreg $0xFFFFFFFF  }
0xb7: {  	s28 =	simm.s32 $_size_execute0_lowered;
	s5 =	sadd.s32 s5, s7;
	[dreg:$0x0] =	wrdreg $0x0  }
0xb8: {  	s7 =	sshll.u32 s28, $0x1;
	[dreg:$0x2] =	wrdreg s5  }
0xb9: {  	[dreg:$0x3] =	wrdreg s7  }
0xba: {  	[dreg:$0x4] =	wrdreg $0xC0  }
0xbb: {  	_ =	task [dreg:s22], $0x5FFFF  }
0xbc: {  	[dreg:$0x1] =	wrdreg $0xFFFFFFFF  }
0xbd: {  	[dreg:$0x0] =	wrdreg $0x60  }
0xbe: {  	[dreg:$0x2] =	wrdreg s4  }
0xbf: {  	[dreg:$0x3] =	wrdreg s24  }
0xc0: {  	[dreg:$0x4] =	wrdreg s18  }
0xc1: {  	[dreg:$0x5] =	wrdreg $0xE8000  }
0xc2: {  	[dreg:$0x6] =	wrdreg $0x9  }
0xc3: {  	_ =	task.clear_ibuf [dreg:s22], $0x7FFFF;
	_ =	strace $0x90000049  }
0xc4: {  	s29 =	simm.s32 $0x9;
	_ =	strace $0x8000004B  }
0xc5: {  	_ =	swait.ge [sflag:s29], $0x1  }
0xc6: {  	[sflag:s29] =	ssyncadd.s32 $0xFFFFFFFF  }
0xc7: {  	_ =	strace $0x9000004B  }
0xc8: {  	_ =	sfence  }
0xc9: {  	s30 =	sld [smem:$0x0];
	_ =	sdelay $0x2  }
0xca: {  	s31 =	sshll.u32 s1, $0xD;
	s1 =	sshrl.u32 s1, $0x2  }
0xcb: {  	s4 =	sand.u32 $0x4000, s31;
	s1 =	sadd.s32 s1, s30  }
0xcc: {  	s0 =	sor.u32 s4, s0;
	s1 =	sshll.u32 s1, $0x11  }
0xcd: {  	s0 =	sor.u32 s1, s0  }
0xce: {  	s0 =	sadd.s32 $0x8F2B, s0  }
0xcf: {  	[sflag:s0] =	ssyncadd.remote.s32 $0x1  }
0xd0: {  	_ =	sfence.sel $0xFFFF  }
0xd1: {  	[dreg:$0x0] =	wrdreg $0xFFFFFFFF;
	(pc) =	sbr.abs _section_cstart, $3  }
0xd2: {  	[dreg:$0x1] =	wrdreg $0xFFFFFFFF  }
0xd3: {  	_ =	task.clear_ibuf [dreg:s22], $0x2FFFF;
	_ =	strace $0x9FFFFFFF  }
0xd4: {  	(tm) =	ssettm $0x7FFFFFFF  }
0xd5: {  	_ =	shalt  }
tec
execute0_lowered:
.L_overlay_start_1:
0x0: {  	(tag) =	ssettag $0x1  }
0x1: {  	s0 =	rddreg [dreg:$0x0]  }
0x2: {  	s1 =	rddreg [dreg:$0x1]  }
0x3: {  	s9 =	rddreg [dreg:$0x2]  }
0x4: {  	s2 =	rddreg [dreg:$0x3];
	s3 =	srdreg.scid  }
0x5: {  	s13 =	stileid.u32;
	s14 =	simm.s32 $0x6600;
	s16 =	simm.s32 $0x200  }
0x6: {  	s17 =	simm.s32 $0x80;
	s18 =	simm.s32 $0xA800;
	s20 =	simm.s32 $0xB800  }
0x7: {  	s22 =	simm.s32 $0xC800;
	s19 =	simm.s32 $0x3;
	s21 =	simm.s32 $0x6680  }
0x8: {  	s28 =	simm.s32 $0x4;
	s29 =	simm.s32 $0x6700;
	s31 =	simm.s32 $0x5  }
0x9: {  	s30 =	simm.s32 $0x0;
	s5 =	sand.u32 $0x1, s3;
	s3 =	simm.s32 $0x0  }
0xa: {  	s4 =	sshll.u32 s13, $0xA;
	s23 =	sshll.u32 s13, $0x6;
	s26 =	sshll.u32 s13, $0xE  }
0xb: {  	s13 =	simm.s32 $0x6;
	s6 =	sshll.u32 s5, $0x9;
	[smem:$0x7FF] =	sst s3  }
0xc: {  	s11 =	sadd.s32 s23, s1;
	s12 =	ssub.s32 $0x2, s5;
	s5 =	sadd.s32 $0x40BC00, s1  }
0xd: {  	s7 =	sor.u32 s6, s4;
	_ =	strace $0x8000004A;
	[dreg:$0x5] =	wrdreg s23  }
0xe: {  	s6 =	sadd.s32 $0x40CC00, s1;
	s24 =	sshrl.u32 s12, $0x1;
	s8 =	sshrl.u32 s7, $0x3  }
0xf: {  	s23 =	simm.s32 $0x1;
	s25 =	sshll.u32 s7, $0x2;
	s10 =	sadd.s32 s8, s1  }
.Ltmp0:
0x10: {  	s1 =	ssub.s32 s12, s24;
	s0 =	sadd.s32 s0, s8;
	(pc) =	sbr.rel .LBB2_1-.Ltmp0, $4  }
0x11: {  	s8 =	sadd.s32 $0x47CC00, s11;
	s9 =	sadd.s32 s9, s25;
	s24 =	simm.s32 $0xD800  }
0x12: {  	[dreg:$0x6] =	wrdreg s0;
	s10 =	sadd.s32 $0x3F2C00, s10;
	s11 =	sadd.s32 $0x10000, s9  }
0x13: {  	s0 =	sadd.s32 s26, s2;
	s12 =	smax.u32 s1, $0x1;
	s26 =	simm.s32 $0x6800  }
0x14: {  	s1 =	simm.s32 $0x2;
	s25 =	sshrl.u32 s0, $0x3;
	s0 =	simm.s32 $0x6780  }
.LBB2_4:
0x15: {  	_ =	swait.ge [sflag:s19], $0x1000  }
0x16: {  	[sflag:s19] =	ssyncset.done $0x0  }
0x17: {  	[sflag:s19] =	ssyncadd.s32 $0xFFFFF000  }
0x18: {  	[spmem:s2] =	stream.indirect.scatter.add.f32 [tilespmem:s20], [sflag:$0x6], $0x20, s21, s17, $0xb8;
	[tilespmem:$0x12800] =	vst v63  }
0x19: {  	_ =	swait.ge [sflag:s13], $0x1000  }
0x1a: {  	[sflag:s13] =	ssyncset.done $0x0  }
0x1b: {  	[sflag:s13] =	ssyncadd.s32 $0xFFFFF000  }
0x1c: {  	_ =	swait.ge [sflag:s28], $0x1000  }
0x1d: {  	[sflag:s28] =	ssyncset.done $0x0  }
0x1e: {  	[sflag:s28] =	ssyncadd.s32 $0xFFFFF000  }
0x1f: {  	[spmem:s2] =	stream.indirect.scatter.add.f32 [tilespmem:s22], [sflag:$0x6], $0x20, s29, s17, $0xb8;
	[tilespmem:$0x12800] =	vst v63  }
0x20: {  	_ =	swait.ge [sflag:s13], $0x1000  }
0x21: {  	[sflag:s13] =	ssyncset.done $0x0  }
0x22: {  	[sflag:s13] =	ssyncadd.s32 $0xFFFFF000  }
0x23: {  	_ =	swait.ge [sflag:s31], $0x1000  }
0x24: {  	[sflag:s31] =	ssyncset.done $0x0  }
0x25: {  	[sflag:s31] =	ssyncadd.s32 $0xFFFFF000  }
0x26: {  	[spmem:s2] =	stream.indirect.scatter.add.f32 [tilespmem:s24], [sflag:$0x6], $0x20, s0, s17, $0xb8;
	[tilespmem:$0x12800] =	vst v63  }
0x27: {  	_ =	swait.ge [sflag:s13], $0x1000  }
0x28: {  	[sflag:s13] =	ssyncset.done $0x0  }
0x29: {  	[sflag:s13] =	ssyncadd.s32 $0xFFFFF000  }
0x2a: {  	_ =	swait.ge [sflag:s23], $0x1000  }
0x2b: {  	[sflag:s23] =	ssyncset.done $0x0  }
0x2c: {  	[sflag:s23] =	ssyncadd.s32 $0xFFFFF000  }
0x2d: {  	_ =	swait.ge [sflag:s23], $0x1000  }
0x2e: {  	[sflag:s23] =	ssyncset.done $0x0  }
0x2f: {  	[sflag:s23] =	ssyncadd.s32 $0xFFFFF000  }
0x30: {  	_ =	swait.ge [sflag:s23], $0x1000  }
0x31: {  	[sflag:s23] =	ssyncset.done $0x0  }
0x32: {  	[sflag:s23] =	ssyncadd.s32 $0xFFFFF000  }
0x33: {  	_ =	swait.ge [sflag:s23], $0x1000  }
0x34: {  	[sflag:s23] =	ssyncset.done $0x0  }
0x35: {  	[sflag:s23] =	ssyncadd.s32 $0xFFFFF000  }
0x36: {  	[hbm4b:s9+s3] =	stream.linear.scatter [tilespmem:s26], [sflag:$0x6], $0x4000, $0x38;
	[tilespmem:$0x12800] =	vst v63  }
0x37: {  	s30 =	sadd.s32 $0x1, s30;
	_ =	swait.ge [sflag:s13], $0x4000  }
0x38: {  	p0 =	sne.s32 s30, s12;
	[sflag:s13] =	ssyncset.done $0x0;
	s4 =	rddreg [dreg:$0x5]  }
.Ltmp1:
0x39: {  	[sflag:s13] =	ssyncadd.s32 $0xFFFFC000;
	s4 =	sor.u32 $0x1C06, s4;
	(pc) =	sbr.rel @!p0 .LBB2_5-.Ltmp1, $4  }
0x3a: {  	[hbm:s11], [sflag:s4] =	dma.local [spmem:s25], $0x800  }
0x3b: {  	_ =	swait.ge [sflag:s13], $0x800  }
0x3c: {  	[sflag:s13] =	ssyncset.done $0x0  }
0x3d: {  	[sflag:s13] =	ssyncadd.s32 $0xFFFFF800  }
.LBB2_1:
0x3e: {  	s4 =	rddreg [dreg:$0x6]  }
0x3f: {  	[tilespmem:s3], [sflag:$0x6] =	stream.linear.gather [hbm4b:s4+s3], $0x200, $0x38;
	[tilespmem:$0x12800] =	vst v63  }
0x40: {  	_ =	swait.ge [sflag:s13], $0x200  }
0x41: {  	[sflag:s13] =	ssyncset.done $0x0  }
0x42: {  	[sflag:s13] =	ssyncadd.s32 $0xFFFFFE00  }
0x43: {  	[tilespmem:s14], [sflag:$0x6] =	stream.linear.gather [hbm4b:s8+s3], $0x200, $0x38;
	[tilespmem:$0x12800] =	vst v63  }
0x44: {  	_ =	swait.ge [sflag:s13], $0x200  }
0x45: {  	[sflag:s13] =	ssyncset.done $0x0  }
0x46: {  	s7 =	simm.s32 $0x4000;
	[sflag:s13] =	ssyncadd.s32 $0xFFFFFE00  }
0x47: {  	[tilespmem:s16], [sflag:$0x6] =	stream.strided.gather [hbm4b:s10+s16], $0x6400, s7, s16, $0x38;
	[tilespmem:$0x12800] =	vst v63  }
0x48: {  	_ =	swait.ge [sflag:s13], $0x6400  }
0x49: {  	[sflag:s13] =	ssyncset.done $0x0  }
0x4a: {  	[sflag:s13] =	ssyncadd.s32 $0xFFFF9C00  }
0x4b: {  	[tilespmem:s18], [sflag:$0x2] =	stream.indirect.gather [hbm4b:s6+s17], $0x20, s16, s17, $0xb8;
	[tilespmem:$0x12800] =	vst v63  }
0x4c: {  	s15 =	simm.s32 $0x280  }
0x4d: {  	[tilespmem:s20], [sflag:$0x3] =	stream.indirect.gather [hbm4b:s6+s17], $0x20, s15, s17, $0xb8;
	[tilespmem:$0x12800] =	vst v63  }
0x4e: {  	s7 =	simm.s32 $0x300  }
0x4f: {  	[tilespmem:s22], [sflag:$0x4] =	stream.indirect.gather [hbm4b:s6+s17], $0x20, s7, s17, $0xb8;
	[tilespmem:$0x12800] =	vst v63  }
0x50: {  	s15 =	simm.s32 $0x380  }
0x51: {  	[tilespmem:s24], [sflag:$0x5] =	stream.indirect.gather [hbm4b:s6+s17], $0x20, s15, s17, $0xb8;
	[tilespmem:$0x12800] =	vst v63  }
0x52: {  	_ = 	snop  }
0x53: {  	[tilespmem:s26], [sflag:$0x1] =	stream.indirect.gather [hbm4b:s5+s17], $0x20, s3, s17, $0xb8;
	[tilespmem:$0x12800] =	vst v63  }
0x54: {  	s7 =	simm.s32 $0x7800  }
0x55: {  	[tilespmem:s7], [sflag:$0x1] =	stream.indirect.gather [hbm4b:s5+s17], $0x20, s17, s17, $0xb8;
	[tilespmem:$0x12800] =	vst v63  }
0x56: {  	s15 =	simm.s32 $0x100;
	s7 =	simm.s32 $0x8800  }
0x57: {  	[tilespmem:s7], [sflag:$0x1] =	stream.indirect.gather [hbm4b:s5+s17], $0x20, s15, s17, $0xb8;
	[tilespmem:$0x12800] =	vst v63  }
0x58: {  	s7 =	simm.s32 $0x180;
	s15 =	simm.s32 $0x9800  }
0x59: {  	[tilespmem:s15], [sflag:$0x1] =	stream.indirect.gather [hbm4b:s5+s17], $0x20, s7, s17, $0xb8;
	[tilespmem:$0x12800] =	vst v63  }
0x5a: {  	_ =	swait.ge [sflag:s1], $0x1000  }
0x5b: {  	[sflag:s1] =	ssyncset.done $0x0  }
0x5c: {  	[sflag:s1] =	ssyncadd.s32 $0xFFFFF000  }
0x5d: {  	[spmem:s2] =	stream.indirect.scatter [tilespmem:s18], [sflag:$0x6], $0x20, s14, s17, $0xb8;
	[tilespmem:$0x12800] =	vst v63  }
0x5e: {  	_ =	swait.ge [sflag:s13], $0x1000  }
0x5f: {  	[sflag:s13] =	ssyncset.done $0x0  }
0x60: {  	s7 =	simm.s32 $0x400;
	[sflag:s13] =	ssyncadd.s32 $0xFFFFF000  }
0x61: {  	[tilespmem:s18], [sflag:$0x2] =	stream.indirect.gather [hbm4b:s6+s17], $0x20, s7, s17, $0xb8;
	[tilespmem:$0x12800] =	vst v63  }
0x62: {  	_ =	swait.ge [sflag:s19], $0x1000  }
0x63: {  	[sflag:s19] =	ssyncset.done $0x0  }
0x64: {  	[sflag:s19] =	ssyncadd.s32 $0xFFFFF000  }
0x65: {  	[spmem:s2] =	stream.indirect.scatter [tilespmem:s20], [sflag:$0x6], $0x20, s21, s17, $0xb8;
	[tilespmem:$0x12800] =	vst v63  }
0x66: {  	_ =	swait.ge [sflag:s13], $0x1000  }
0x67: {  	[sflag:s13] =	ssyncset.done $0x0  }
0x68: {  	s15 =	simm.s32 $0x480;
	[sflag:s13] =	ssyncadd.s32 $0xFFFFF000  }
0x69: {  	[tilespmem:s20], [sflag:$0x3] =	stream.indirect.gather [hbm4b:s6+s17], $0x20, s15, s17, $0xb8;
	[tilespmem:$0x12800] =	vst v63  }
0x6a: {  	_ =	swait.ge [sflag:s28], $0x1000  }
0x6b: {  	[sflag:s28] =	ssyncset.done $0x0  }
0x6c: {  	[sflag:s28] =	ssyncadd.s32 $0xFFFFF000  }
0x6d: {  	[spmem:s2] =	stream.indirect.scatter [tilespmem:s22], [sflag:$0x6], $0x20, s29, s17, $0xb8;
	[tilespmem:$0x12800] =	vst v63  }
0x6e: {  	_ =	swait.ge [sflag:s13], $0x1000  }
0x6f: {  	[sflag:s13] =	ssyncset.done $0x0  }
0x70: {  	s7 =	simm.s32 $0x500;
	[sflag:s13] =	ssyncadd.s32 $0xFFFFF000  }
0x71: {  	[tilespmem:s22], [sflag:$0x4] =	stream.indirect.gather [hbm4b:s6+s17], $0x20, s7, s17, $0xb8;
	[tilespmem:$0x12800] =	vst v63  }
0x72: {  	_ =	swait.ge [sflag:s31], $0x1000  }
0x73: {  	[sflag:s31] =	ssyncset.done $0x0  }
0x74: {  	[sflag:s31] =	ssyncadd.s32 $0xFFFFF000  }
0x75: {  	[spmem:s2] =	stream.indirect.scatter [tilespmem:s24], [sflag:$0x6], $0x20, s0, s17, $0xb8;
	[tilespmem:$0x12800] =	vst v63  }
0x76: {  	_ =	swait.ge [sflag:s13], $0x1000  }
0x77: {  	[sflag:s13] =	ssyncset.done $0x0  }
0x78: {  	s15 =	simm.s32 $0x580;
	[sflag:s13] =	ssyncadd.s32 $0xFFFFF000  }
0x79: {  	[tilespmem:s24], [sflag:$0x5] =	stream.indirect.gather [hbm4b:s6+s17], $0x20, s15, s17, $0xb8;
	[tilespmem:$0x12800] =	vst v63  }
0x7a: {  	s15 =	simm.s32 $0xFFFE8000  }
.LBB2_2:
0x7b: {  	_ =	swait.ge [sflag:s1], $0x1000  }
0x7c: {  	p0 =	seq.s32 s15, $0x0;
	[sflag:s1] =	ssyncset.done $0x0  }
.Ltmp2:
0x7d: {  	[sflag:s1] =	ssyncadd.s32 $0xFFFFF000;
	(pc) =	sbr.rel @p0 .LBB2_4-.Ltmp2, $4  }
0x7e: {  	[spmem:s2] =	stream.indirect.scatter.add.f32 [tilespmem:s18], [sflag:$0x6], $0x20, s14, s17, $0xb8;
	[tilespmem:$0x12800] =	vst v63  }
0x7f: {  	_ =	swait.ge [sflag:s13], $0x1000  }
0x80: {  	[sflag:s13] =	ssyncset.done $0x0  }
0x81: {  	[sflag:s13] =	ssyncadd.s32 $0xFFFFF000  }
0x82: {  	s4 =	sshra.s32 s15, $0x2  }
0x83: {  	s7 =	sadd.s32 $0x6600, s4  }
0x84: {  	[tilespmem:s18], [sflag:$0x2] =	stream.indirect.gather [hbm4b:s6+s17], $0x20, s7, s17, $0xb8;
	[tilespmem:$0x12800] =	vst v63  }
0x85: {  	_ =	swait.ge [sflag:s19], $0x1000  }
0x86: {  	[sflag:s19] =	ssyncset.done $0x0  }
0x87: {  	[sflag:s19] =	ssyncadd.s32 $0xFFFFF000  }
0x88: {  	[spmem:s2] =	stream.indirect.scatter.add.f32 [tilespmem:s20], [sflag:$0x6], $0x20, s21, s17, $0xb8;
	[tilespmem:$0x12800] =	vst v63  }
0x89: {  	_ =	swait.ge [sflag:s13], $0x1000  }
0x8a: {  	[sflag:s13] =	ssyncset.done $0x0  }
0x8b: {  	s7 =	sadd.s32 $0x6680, s4;
	[sflag:s13] =	ssyncadd.s32 $0xFFFFF000  }
0x8c: {  	[tilespmem:s20], [sflag:$0x3] =	stream.indirect.gather [hbm4b:s6+s17], $0x20, s7, s17, $0xb8;
	[tilespmem:$0x12800] =	vst v63  }
0x8d: {  	_ =	swait.ge [sflag:s28], $0x1000  }
0x8e: {  	[sflag:s28] =	ssyncset.done $0x0  }
0x8f: {  	[sflag:s28] =	ssyncadd.s32 $0xFFFFF000  }
0x90: {  	[spmem:s2] =	stream.indirect.scatter.add.f32 [tilespmem:s22], [sflag:$0x6], $0x20, s29, s17, $0xb8;
	[tilespmem:$0x12800] =	vst v63  }
0x91: {  	_ =	swait.ge [sflag:s13], $0x1000  }
0x92: {  	[sflag:s13] =	ssyncset.done $0x0  }
0x93: {  	s7 =	sadd.s32 $0x6700, s4;
	[sflag:s13] =	ssyncadd.s32 $0xFFFFF000  }
0x94: {  	[tilespmem:s22], [sflag:$0x4] =	stream.indirect.gather [hbm4b:s6+s17], $0x20, s7, s17, $0xb8;
	[tilespmem:$0x12800] =	vst v63  }
0x95: {  	_ =	swait.ge [sflag:s31], $0x1000  }
0x96: {  	[sflag:s31] =	ssyncset.done $0x0  }
0x97: {  	[sflag:s31] =	ssyncadd.s32 $0xFFFFF000  }
0x98: {  	[spmem:s2] =	stream.indirect.scatter.add.f32 [tilespmem:s24], [sflag:$0x6], $0x20, s0, s17, $0xb8;
	[tilespmem:$0x12800] =	vst v63  }
.Ltmp3:
0x99: {  	_ = 	snop;
	(pc) =	sbr.rel .LBB2_2-.Ltmp3, $4  }
0x9a: {  	_ =	swait.ge [sflag:s13], $0x1000  }
0x9b: {  	[sflag:s13] =	ssyncset.done $0x0  }
0x9c: {  	s15 =	sadd.s32 $0x800, s15;
	s4 =	sadd.s32 $0x6780, s4;
	[sflag:s13] =	ssyncadd.s32 $0xFFFFF000  }
0x9d: {  	[tilespmem:s24], [sflag:$0x5] =	stream.indirect.gather [hbm4b:s6+s17], $0x20, s4, s17, $0xb8;
	[tilespmem:$0x12800] =	vst v63  }
.LBB2_5:
0x9e: {  	_ =	sfence.sel $0x180000  }
0x9f: {  	[bflag:$0x0] =	sbarrier.arrive $0xFFFF  }
0xa0: {  	_ =	strace $0x9000004A  }
0xa1: {  	s0 =	stileid.u32;
	[bflag:$0x2] =	sbarrier.arrive $0xFFFF  }
0xa2: {  	p0 =	sne.s32 s0, $0x0;
	s0 =	rddreg [dreg:$0x4]  }
0xa3: {  	s0 =	sadd.s32 @!p0 $0x100000, s0  }
0xa4: {  	[sflag:s0] =	ssyncadd.tile.s32 @!p0 $0x1;
	_ =	shalt  }
.Lfunc_end2:
_tile_overlayer_lowered:
.L_overlay_start_2:
0xa5: {  	(tag) =	ssettag $0x2  }
0xa6: {  	s0 =	rddreg [dreg:$0x0];
	s2 =	stileid.u32  }
0xa7: {  	s1 =	rddreg [dreg:$0x1];
	p0 =	sne.s32 s2, $0x0  }
0xa8: {  	s3 =	rddreg [dreg:$0x2];
	[bflag:$0x3] =	sbarrier.arrive $0xFFFF;
	s2 =	simm.s32 @!p0 $0x1C06  }
0xa9: {  	[timem:s3], [sflag:s2] =	dma.local @!p0 [hbm:s0], s1  }
0xaa: {  	s0 =	simm.s32 @!p0 $0x6  }
0xab: {  	_ =	swait.ge @!p0 [sflag:s0], s1  }
0xac: {  	s1 =	ssub.s32 @!p0 $0x0, s1;
	[sflag:s0] =	ssyncset.done @!p0 $0x0  }
0xad: {  	[sflag:s0] =	ssyncadd.s32 @!p0 s1  }
0xae: {  	[bflag:$0x3] =	sbarrier.arrive $0xFFFF  }
0xaf: {  	_ =	shalt  }

</sc_bundles>
